<compile_context>
chip_gen: v7x
topology: tpu7x:2x2x1
jax: 0.10.2.dev20260603
libtpu: 0.0.44.dev20260713+nightly
codegen_flags: <defaults>
</compile_context>

<pallas_src>
import functools

import jax
import jax.numpy as jnp
from jax import lax
from jax.experimental import pallas as pl
from jax.experimental.pallas import tpu as pltpu
from jax.experimental.pallas import tpu_sc as plsc

N_NODES = 10000
N_EDGES = 320000
D = 128

NC = 2
NS = 16
NW = NC * NS
CH = 128
NCH = 80
EPT = NCH * CH
E_PAD = NW * EPT
NPAIR = NCH // 2 - 1
NPAD = 10240
RPT = NPAD // NS



def _sc_agg(with_cnt: bool):
    out_type = [jax.ShapeDtypeStruct((NC, NPAD, D), jnp.float32)]
    scratch = [
        pltpu.VMEM((CH,), jnp.int32),
        pltpu.VMEM((CH,), jnp.int32),
        pltpu.VMEM((CH,), jnp.int32),
        pltpu.VMEM((CH,), jnp.int32),
        pltpu.VMEM((CH, D), jnp.float32),
        pltpu.VMEM((CH, D), jnp.float32),
        pltpu.VMEM_SHARED((NPAD, D), jnp.float32),
        pltpu.SemaphoreType.DMA,
        pltpu.SemaphoreType.DMA,
        pltpu.SemaphoreType.DMA,
        pltpu.SemaphoreType.DMA,
        pltpu.SemaphoreType.DMA,
        pltpu.SemaphoreType.DMA,
        pltpu.SemaphoreType.DMA,
        pltpu.SemaphoreType.DMA,
    ]
    if with_cnt:
        out_type.append(jax.ShapeDtypeStruct((NW, NPAD), jnp.float32))
        scratch.append(pltpu.VMEM((NPAD,), jnp.float32))

    mesh = plsc.VectorSubcoreMesh(core_axis_name="c", subcore_axis_name="s")

    @functools.partial(
        pl.kernel, out_type=out_type, scratch_types=scratch, mesh=mesh,
        compiler_params=pltpu.CompilerParams(needs_layout_passes=False))
    def body(*refs):
        if with_cnt:
            (x_hbm, src_hbm, dst_hbm, zrow_hbm, zcnt_hbm,
             agg_out, cnt_out,
             srcv0, srcv1, dstv0, dstv1, rows0, rows1, acc,
             isems0, isems1, isemd0, isemd1,
             gsem0, gsem1, ssem0, ssem1, cntv) = refs
        else:
            (x_hbm, src_hbm, dst_hbm, zrow_hbm,
             agg_out,
             srcv0, srcv1, dstv0, dstv1, rows0, rows1, acc,
             isems0, isems1, isemd0, isemd1,
             gsem0, gsem1, ssem0, ssem1) = refs

        c = lax.axis_index("c")
        s = lax.axis_index("s")
        wid = c * NS + s

        pltpu.sync_copy(zrow_hbm, acc.at[pl.ds(s * RPT, RPT)])
        if with_cnt:
            pltpu.sync_copy(zcnt_hbm, cntv)
        plsc.subcore_barrier()

        ones16 = jnp.full((16,), 1.0, jnp.float32)
        base0 = wid * EPT

        def fsrc(i, buf, sem):
            b = pl.multiple_of(base0 + i * CH, 8)
            return pltpu.make_async_copy(src_hbm.at[pl.ds(b, CH)], buf, sem)

        def fdst(i, buf, sem):
            b = pl.multiple_of(base0 + i * CH, 8)
            return pltpu.make_async_copy(dst_hbm.at[pl.ds(b, CH)], buf, sem)

        def gather(buf, idxbuf, sem):
            return pltpu.make_async_copy(x_hbm.at[idxbuf], buf, sem)

        def scatter(buf, idxbuf, sem):
            return pltpu.make_async_copy(buf, acc.at[idxbuf], sem)

        def count(dbuf):
            if with_cnt:
                for g in range(CH // 16):
                    dst16 = dbuf[pl.ds(g * 16, 16)]
                    plsc.addupdate_scatter(cntv, [dst16], ones16)

        fsrc(0, srcv0, isems0).start()
        fsrc(0, srcv0, isems0).wait()
        gather(rows0, srcv0, gsem0).start()
        fsrc(1, srcv1, isems1).start()
        fdst(0, dstv0, isemd0).start()

        def pair_body(i0, first=False, last=False):
            i1 = i0 + 1
            gather(rows0, srcv0, gsem0).wait()
            if not last:
                fsrc(i0 + 2, srcv0, isems0).start()
            if not first:
                scatter(rows1, dstv1, ssem1).wait()
            fdst(i1, dstv1, isemd1).start()
            fsrc(i1, srcv1, isems1).wait()
            gather(rows1, srcv1, gsem1).start()
            fdst(i0, dstv0, isemd0).wait()
            sc0 = scatter(rows0, dstv0, ssem0)
            sc0.start(add=True)
            count(dstv0)
            gather(rows1, srcv1, gsem1).wait()
            sc0.wait()
            if not last:
                fdst(i0 + 2, dstv0, isemd0).start()
                fsrc(i0 + 2, srcv0, isems0).wait()
                gather(rows0, srcv0, gsem0).start()
                fsrc(i0 + 3, srcv1, isems1).start()
            fdst(i1, dstv1, isemd1).wait()
            sc1 = scatter(rows1, dstv1, ssem1)
            sc1.start(add=True)
            count(dstv1)
            if last:
                sc1.wait()

        pair_body(0, first=True)

        def pair(p, carry):
            pair_body(2 * p)
            return carry

        lax.fori_loop(1, NPAIR, pair, 0)
        pair_body(NCH - 2, last=True)
        plsc.subcore_barrier()

        r0 = s * RPT
        pltpu.sync_copy(acc.at[pl.ds(r0, RPT)], agg_out.at[c, pl.ds(r0, RPT)])
        if with_cnt:
            pltpu.sync_copy(cntv, cnt_out.at[wid])

    return body


_sc_agg_cnt_kernel = _sc_agg(with_cnt=True)
_sc_agg_kernel = _sc_agg(with_cnt=False)

BLK = 1024


def _tc_body(agg_ref, cnt_ref, x_ref, wl_ref, bl_ref, wr_ref, o_ref):
    agg = agg_ref[0] + agg_ref[1]
    cnt = lax.dot_general(cnt_ref[...], jnp.ones((NW, D), jnp.float32),
                          (((0,), (0,)), ((), ())),
                          preferred_element_type=jnp.float32)
    mean = agg / jnp.maximum(cnt, 1.0)
    acc = jnp.dot(mean, wl_ref[...], preferred_element_type=jnp.float32)
    acc = acc + bl_ref[...]
    acc = acc + jnp.dot(x_ref[...], wr_ref[...],
                        preferred_element_type=jnp.float32)
    o_ref[...] = jnp.maximum(acc, 0.0)


def _tc_layer(aggp, cntp, x, Wl, bl2d, Wr):
    return pl.pallas_call(
        _tc_body,
        grid=((N_NODES + BLK - 1) // BLK,),
        in_specs=[
            pl.BlockSpec((NC, BLK, D), lambda i: (0, i, 0)),
            pl.BlockSpec((NW, BLK), lambda i: (0, i)),
            pl.BlockSpec((BLK, D), lambda i: (i, 0)),
            pl.BlockSpec((D, D), lambda i: (0, 0)),
            pl.BlockSpec((1, D), lambda i: (0, 0)),
            pl.BlockSpec((D, D), lambda i: (0, 0)),
        ],
        out_specs=pl.BlockSpec((BLK, D), lambda i: (i, 0)),
        out_shape=jax.ShapeDtypeStruct((N_NODES, D), jnp.float32),
    )(aggp, cntp, x, Wl, bl2d, Wr)


def kernel(x, adj, Wl1, bl1, Wr1, Wl2, bl2, Wr2):
    adj = adj.astype(jnp.int32)
    npad_e = E_PAD - N_EDGES
    pad_src = jnp.arange(npad_e, dtype=jnp.int32) % N_NODES
    pad_dst = N_NODES + (jnp.arange(npad_e, dtype=jnp.int32) % (NPAD - N_NODES))
    src = jnp.concatenate([adj[0], pad_src])
    dst = jnp.concatenate([adj[1], pad_dst])
    zrow = jnp.zeros((RPT, D), jnp.float32)
    zcnt = jnp.zeros((NPAD,), jnp.float32)

    aggp, cntp = _sc_agg_cnt_kernel(x, src, dst, zrow, zcnt)
    h = _tc_layer(aggp, cntp, x, Wl1, bl1.reshape(1, D), Wr1)
    (aggp2,) = _sc_agg_kernel(h, src, dst, zrow)
    out = _tc_layer(aggp2, cntp, h, Wl2, bl2.reshape(1, D), Wr2)
    return out

# --- scband reference (transcript-rebuilt; emitter-appended) ---
"""Pipeline reference for scband-attribute-decoder-87282325390065 (READ-ONLY COPY).

The authoritative reference and input builder live on the scoring server;
editing this copy changes nothing except your own understanding.
"""

import jax, jax.numpy as jnp
import numpy as np

N_NODES = 10000
N_EDGES = 320000
D_FEAT = 128
D_HID = 128


def setup_inputs(seed: int = 0) -> dict:
    key = jax.random.key(seed)
    ks = jax.random.split(key, 8)
    x = jax.random.normal(ks[0], (N_NODES, D_FEAT), dtype=jnp.float32)
    adj = jax.random.randint(ks[1], (2, N_EDGES), 0, N_NODES, dtype=jnp.int64)
    s1 = 1.0 / np.sqrt(D_FEAT)
    s2 = 1.0 / np.sqrt(D_HID)
    Wl1 = jax.random.normal(ks[2], (D_FEAT, D_HID), dtype=jnp.float32) * s1
    bl1 = jnp.zeros((D_HID,), dtype=jnp.float32)
    Wr1 = jax.random.normal(ks[3], (D_FEAT, D_HID), dtype=jnp.float32) * s1
    Wl2 = jax.random.normal(ks[4], (D_HID, D_FEAT), dtype=jnp.float32) * s2
    bl2 = jnp.zeros((D_FEAT,), dtype=jnp.float32)
    Wr2 = jax.random.normal(ks[5], (D_HID, D_FEAT), dtype=jnp.float32) * s2
    return {"x": x, "adj": adj, "Wl1": Wl1, "bl1": bl1, "Wr1": Wr1, "Wl2": Wl2, "bl2": bl2, "Wr2": Wr2}


def _sage_conv(x, adj, Wl, bl, Wr, num_nodes):
    # PyG SAGEConv (mean aggregation): out = lin_l(mean_j x_j) + lin_r(x)
    src = adj[0]
    dst = adj[1]
    msgs = jnp.take(x, src, axis=0)
    agg = jax.ops.segment_sum(msgs, dst, num_segments=num_nodes)
    cnt = jax.ops.segment_sum(jnp.ones((adj.shape[1],), dtype=x.dtype), dst, num_segments=num_nodes)
    mean = agg / jnp.maximum(cnt, 1.0)[:, None]
    return mean @ Wl + bl + x @ Wr


def reference(x, adj, Wl1, bl1, Wr1, Wl2, bl2, Wr2):
    h = jax.nn.relu(_sage_conv(x, adj, Wl1, bl1, Wr1, N_NODES))
    # dropout is identity in eval mode (training=False)
    out = jax.nn.relu(_sage_conv(h, adj, Wl2, bl2, Wr2, N_NODES))
    return out

if __name__ == "__main__":
    import jax
    _d = setup_inputs()
    print(jax.jit(kernel)(*tuple(_d.values())))

</pallas_src>

<mosaic_0001>
#map = affine_map<(d0, d1) -> (0, 0)>
#map1 = affine_map<(d0, d1) -> (0)>
#map2 = affine_map<(d0, d1) -> (0, 0, 0)>
module attributes {stable_mosaic.version = 14 : i64} {
  func.func @body(%arg0: i32, %arg1: i32, %arg2: memref<10000x128xf32, #tpu.memory_space<hbm>>, %arg3: memref<327680xi32, #tpu.memory_space<hbm>>, %arg4: memref<327680xi32, #tpu.memory_space<hbm>>, %arg5: memref<640x128xf32, #tpu.memory_space<hbm>>, %arg6: memref<10240xf32, #tpu.memory_space<hbm>>, %arg7: memref<2x10240x128xf32, #tpu.memory_space<hbm>>, %arg8: memref<32x10240xf32, #tpu.memory_space<hbm>>, %arg9: memref<128xi32, #tpu.memory_space<vmem>>, %arg10: memref<128xi32, #tpu.memory_space<vmem>>, %arg11: memref<128xi32, #tpu.memory_space<vmem>>, %arg12: memref<128xi32, #tpu.memory_space<vmem>>, %arg13: memref<128x128xf32, #tpu.memory_space<vmem>>, %arg14: memref<128x128xf32, #tpu.memory_space<vmem>>, %arg15: memref<10240x128xf32, #tpu.memory_space<vmem_shared>>, %arg16: memref<!tpu.dma_semaphore, #tpu.memory_space<semaphore_mem>>, %arg17: memref<!tpu.dma_semaphore, #tpu.memory_space<semaphore_mem>>, %arg18: memref<!tpu.dma_semaphore, #tpu.memory_space<semaphore_mem>>, %arg19: memref<!tpu.dma_semaphore, #tpu.memory_space<semaphore_mem>>, %arg20: memref<!tpu.dma_semaphore, #tpu.memory_space<semaphore_mem>>, %arg21: memref<!tpu.dma_semaphore, #tpu.memory_space<semaphore_mem>>, %arg22: memref<!tpu.dma_semaphore, #tpu.memory_space<semaphore_mem>>, %arg23: memref<!tpu.dma_semaphore, #tpu.memory_space<semaphore_mem>>, %arg24: memref<10240xf32, #tpu.memory_space<vmem>>) attributes {dimension_semantics = [#tpu.dimension_semantics<core_parallel>, #tpu.dimension_semantics<subcore_parallel>], iteration_bounds = array<i64: 2, 16>, scalar_prefetch = 0 : i64, scratch_operands = 16 : i64, tpu.core_type = #tpu.core_type<sc_vector_subcore>, window_params = [{transform_indices = #map}, {transform_indices = #map1}, {transform_indices = #map1}, {transform_indices = #map}, {transform_indices = #map1}, {transform_indices = #map2}, {transform_indices = #map}]} {
    %mul3A = arith.constant 16 : i32
    %mul3A_0 = arith.muli %arg0, %mul3A : i32
    %add3A = arith.addi %mul3A_0, %arg1 : i32
    %mul3A_1 = arith.constant 640 : i32
    %mul3A_2 = arith.muli %arg1, %mul3A_1 : i32
    "tpu.region"() ({
      %run_scoped3A = tpu.sem_alloc : memref<!tpu.dma_semaphore, #tpu.memory_space<semaphore_mem>>
      %dma_start3A_202 = arith.constant 0 : i32
      %dma_start3A_203 = tpu.memref_slice %arg15[%mul3A_2, %dma_start3A_202] : memref<10240x128xf32, #tpu.memory_space<vmem_shared>> -> memref<640x128xf32, #tpu.memory_space<vmem_shared>>
      tpu.enqueue_dma source(%arg5 : memref<640x128xf32, #tpu.memory_space<hbm>>) target(%dma_start3A_203 : memref<640x128xf32, #tpu.memory_space<vmem_shared>>) target_semaphore(%run_scoped3A : memref<!tpu.dma_semaphore, #tpu.memory_space<semaphore_mem>>)
      %dma_wait3A_204 = arith.constant 0 : i32
      %dma_wait3A_205 = tpu.memref_slice %arg15[%mul3A_2, %dma_wait3A_204] : memref<10240x128xf32, #tpu.memory_space<vmem_shared>> -> memref<640x128xf32, #tpu.memory_space<vmem_shared>>
      tpu.wait_dma2 semaphore(%run_scoped3A : memref<!tpu.dma_semaphore, #tpu.memory_space<semaphore_mem>>) src(%arg5 : memref<640x128xf32, #tpu.memory_space<hbm>>) dst(%dma_wait3A_205 : memref<640x128xf32, #tpu.memory_space<vmem_shared>>)
      tpu.yield
    }) : () -> ()
    "tpu.region"() ({
      %run_scoped3A = tpu.sem_alloc : memref<!tpu.dma_semaphore, #tpu.memory_space<semaphore_mem>>
      tpu.enqueue_dma source(%arg6 : memref<10240xf32, #tpu.memory_space<hbm>>) target(%arg24 : memref<10240xf32, #tpu.memory_space<vmem>>) target_semaphore(%run_scoped3A : memref<!tpu.dma_semaphore, #tpu.memory_space<semaphore_mem>>)
      tpu.wait_dma2 semaphore(%run_scoped3A : memref<!tpu.dma_semaphore, #tpu.memory_space<semaphore_mem>>) src(%arg6 : memref<10240xf32, #tpu.memory_space<hbm>>) dst(%arg24 : memref<10240xf32, #tpu.memory_space<vmem>>)
      tpu.yield
    }) : () -> ()
    %barrier3A = arith.constant 0 : index
    tpu.barrier barrier_id(%barrier3A)
    %broadcast_in_dim3A = arith.constant 1.000000e+00 : f32
    %broadcast_in_dim3A_3 = vector.broadcast %broadcast_in_dim3A : f32 to vector<16xf32>
    %mul3A_4 = arith.constant 10240 : i32
    %mul3A_5 = arith.muli %add3A, %mul3A_4 : i32
    %add3A_6 = arith.constant 0 : i32
    %add3A_7 = arith.addi %mul3A_5, %add3A_6 : i32
    %multiple_of3A = tpu.assume_multiple %add3A_7, 8 : i32
    %dma_start3A = tpu.memref_slice %arg3[%multiple_of3A] : memref<327680xi32, #tpu.memory_space<hbm>> -> memref<128xi32, #tpu.memory_space<hbm>>
    %dma_start3A_8 = tpu.memref_slice %arg3[%multiple_of3A] : memref<327680xi32, #tpu.memory_space<hbm>> -> memref<128xi32, #tpu.memory_space<hbm>>
    tpu.enqueue_dma source(%dma_start3A_8 : memref<128xi32, #tpu.memory_space<hbm>>) target(%arg9 : memref<128xi32, #tpu.memory_space<vmem>>) target_semaphore(%arg16 : memref<!tpu.dma_semaphore, #tpu.memory_space<semaphore_mem>>)
    %add3A_9 = arith.constant 0 : i32
    %add3A_10 = arith.addi %mul3A_5, %add3A_9 : i32
    %multiple_of3A_11 = tpu.assume_multiple %add3A_10, 8 : i32
    %dma_wait3A = tpu.memref_slice %arg3[%multiple_of3A_11] : memref<327680xi32, #tpu.memory_space<hbm>> -> memref<128xi32, #tpu.memory_space<hbm>>
    %dma_wait3A_12 = tpu.memref_slice %arg3[%multiple_of3A_11] : memref<327680xi32, #tpu.memory_space<hbm>> -> memref<128xi32, #tpu.memory_space<hbm>>
    tpu.wait_dma2 semaphore(%arg16 : memref<!tpu.dma_semaphore, #tpu.memory_space<semaphore_mem>>) src(%dma_wait3A_12 : memref<128xi32, #tpu.memory_space<hbm>>) dst(%arg9 : memref<128xi32, #tpu.memory_space<vmem>>)
    %dma_start3A_13 = arith.constant 0 : i32
    %dma_start3A_14 = arith.constant 0 : i32
    %dma_start3A_15 = tpu.memref_slice %arg2[%dma_start3A_13, %dma_start3A_14] : memref<10000x128xf32, #tpu.memory_space<hbm>> -> memref<10000x128xf32, #tpu.memory_space<hbm>>
    tpu.enqueue_indirect_dma source(%dma_start3A_15 : memref<10000x128xf32, #tpu.memory_space<hbm>>) target(%arg13 : memref<128x128xf32, #tpu.memory_space<vmem>>) offsets(%arg9 : memref<128xi32, #tpu.memory_space<vmem>>) semaphore(%arg20 : memref<!tpu.dma_semaphore, #tpu.memory_space<semaphore_mem>>)
    %add3A_16 = arith.constant 128 : i32
    %add3A_17 = arith.addi %mul3A_5, %add3A_16 : i32
    %multiple_of3A_18 = tpu.assume_multiple %add3A_17, 8 : i32
    %dma_start3A_19 = tpu.memref_slice %arg3[%multiple_of3A_18] : memref<327680xi32, #tpu.memory_space<hbm>> -> memref<128xi32, #tpu.memory_space<hbm>>
    %dma_start3A_20 = tpu.memref_slice %arg3[%multiple_of3A_18] : memref<327680xi32, #tpu.memory_space<hbm>> -> memref<128xi32, #tpu.memory_space<hbm>>
    tpu.enqueue_dma source(%dma_start3A_20 : memref<128xi32, #tpu.memory_space<hbm>>) target(%arg10 : memref<128xi32, #tpu.memory_space<vmem>>) target_semaphore(%arg17 : memref<!tpu.dma_semaphore, #tpu.memory_space<semaphore_mem>>)
    %add3A_21 = arith.constant 0 : i32
    %add3A_22 = arith.addi %mul3A_5, %add3A_21 : i32
    %multiple_of3A_23 = tpu.assume_multiple %add3A_22, 8 : i32
    %dma_start3A_24 = tpu.memref_slice %arg4[%multiple_of3A_23] : memref<327680xi32, #tpu.memory_space<hbm>> -> memref<128xi32, #tpu.memory_space<hbm>>
    %dma_start3A_25 = tpu.memref_slice %arg4[%multiple_of3A_23] : memref<327680xi32, #tpu.memory_space<hbm>> -> memref<128xi32, #tpu.memory_space<hbm>>
    tpu.enqueue_dma source(%dma_start3A_25 : memref<128xi32, #tpu.memory_space<hbm>>) target(%arg11 : memref<128xi32, #tpu.memory_space<vmem>>) target_semaphore(%arg18 : memref<!tpu.dma_semaphore, #tpu.memory_space<semaphore_mem>>)
    %dma_wait3A_26 = arith.constant 0 : i32
    %dma_wait3A_27 = arith.constant 0 : i32
    %dma_wait3A_28 = tpu.memref_slice %arg2[%dma_wait3A_26, %dma_wait3A_27] : memref<10000x128xf32, #tpu.memory_space<hbm>> -> memref<10000x128xf32, #tpu.memory_space<hbm>>
    tpu.wait_indirect_dma semaphore(%arg20 : memref<!tpu.dma_semaphore, #tpu.memory_space<semaphore_mem>>) src(%dma_wait3A_28 : memref<10000x128xf32, #tpu.memory_space<hbm>>) dst(%arg13 : memref<128x128xf32, #tpu.memory_space<vmem>>)
    %add3A_29 = arith.constant 256 : i32
    %add3A_30 = arith.addi %mul3A_5, %add3A_29 : i32
    %multiple_of3A_31 = tpu.assume_multiple %add3A_30, 8 : i32
    %dma_start3A_32 = tpu.memref_slice %arg3[%multiple_of3A_31] : memref<327680xi32, #tpu.memory_space<hbm>> -> memref<128xi32, #tpu.memory_space<hbm>>
    %dma_start3A_33 = tpu.memref_slice %arg3[%multiple_of3A_31] : memref<327680xi32, #tpu.memory_space<hbm>> -> memref<128xi32, #tpu.memory_space<hbm>>
    tpu.enqueue_dma source(%dma_start3A_33 : memref<128xi32, #tpu.memory_space<hbm>>) target(%arg9 : memref<128xi32, #tpu.memory_space<vmem>>) target_semaphore(%arg16 : memref<!tpu.dma_semaphore, #tpu.memory_space<semaphore_mem>>)
    %add3A_34 = arith.constant 128 : i32
    %add3A_35 = arith.addi %mul3A_5, %add3A_34 : i32
    %multiple_of3A_36 = tpu.assume_multiple %add3A_35, 8 : i32
    %dma_start3A_37 = tpu.memref_slice %arg4[%multiple_of3A_36] : memref<327680xi32, #tpu.memory_space<hbm>> -> memref<128xi32, #tpu.memory_space<hbm>>
    %dma_start3A_38 = tpu.memref_slice %arg4[%multiple_of3A_36] : memref<327680xi32, #tpu.memory_space<hbm>> -> memref<128xi32, #tpu.memory_space<hbm>>
    tpu.enqueue_dma source(%dma_start3A_38 : memref<128xi32, #tpu.memory_space<hbm>>) target(%arg12 : memref<128xi32, #tpu.memory_space<vmem>>) target_semaphore(%arg19 : memref<!tpu.dma_semaphore, #tpu.memory_space<semaphore_mem>>)
    %add3A_39 = arith.constant 128 : i32
    %add3A_40 = arith.addi %mul3A_5, %add3A_39 : i32
    %multiple_of3A_41 = tpu.assume_multiple %add3A_40, 8 : i32
    %dma_wait3A_42 = tpu.memref_slice %arg3[%multiple_of3A_41] : memref<327680xi32, #tpu.memory_space<hbm>> -> memref<128xi32, #tpu.memory_space<hbm>>
    %dma_wait3A_43 = tpu.memref_slice %arg3[%multiple_of3A_41] : memref<327680xi32, #tpu.memory_space<hbm>> -> memref<128xi32, #tpu.memory_space<hbm>>
    tpu.wait_dma2 semaphore(%arg17 : memref<!tpu.dma_semaphore, #tpu.memory_space<semaphore_mem>>) src(%dma_wait3A_43 : memref<128xi32, #tpu.memory_space<hbm>>) dst(%arg10 : memref<128xi32, #tpu.memory_space<vmem>>)
    %dma_start3A_44 = arith.constant 0 : i32
    %dma_start3A_45 = arith.constant 0 : i32
    %dma_start3A_46 = tpu.memref_slice %arg2[%dma_start3A_44, %dma_start3A_45] : memref<10000x128xf32, #tpu.memory_space<hbm>> -> memref<10000x128xf32, #tpu.memory_space<hbm>>
    tpu.enqueue_indirect_dma source(%dma_start3A_46 : memref<10000x128xf32, #tpu.memory_space<hbm>>) target(%arg14 : memref<128x128xf32, #tpu.memory_space<vmem>>) offsets(%arg10 : memref<128xi32, #tpu.memory_space<vmem>>) semaphore(%arg21 : memref<!tpu.dma_semaphore, #tpu.memory_space<semaphore_mem>>)
    %add3A_47 = arith.constant 0 : i32
    %add3A_48 = arith.addi %mul3A_5, %add3A_47 : i32
    %multiple_of3A_49 = tpu.assume_multiple %add3A_48, 8 : i32
    %dma_wait3A_50 = tpu.memref_slice %arg4[%multiple_of3A_49] : memref<327680xi32, #tpu.memory_space<hbm>> -> memref<128xi32, #tpu.memory_space<hbm>>
    %dma_wait3A_51 = tpu.memref_slice %arg4[%multiple_of3A_49] : memref<327680xi32, #tpu.memory_space<hbm>> -> memref<128xi32, #tpu.memory_space<hbm>>
    tpu.wait_dma2 semaphore(%arg18 : memref<!tpu.dma_semaphore, #tpu.memory_space<semaphore_mem>>) src(%dma_wait3A_51 : memref<128xi32, #tpu.memory_space<hbm>>) dst(%arg11 : memref<128xi32, #tpu.memory_space<vmem>>)
    %dma_start3A_52 = arith.constant 0 : i32
    %dma_start3A_53 = arith.constant 0 : i32
    %dma_start3A_54 = tpu.memref_slice %arg15[%dma_start3A_52, %dma_start3A_53] : memref<10240x128xf32, #tpu.memory_space<vmem_shared>> -> memref<10240x128xf32, #tpu.memory_space<vmem_shared>>
    tpu.enqueue_indirect_dma source(%arg13 : memref<128x128xf32, #tpu.memory_space<vmem>>) target(%dma_start3A_54 : memref<10240x128xf32, #tpu.memory_space<vmem_shared>>) offsets(%arg11 : memref<128xi32, #tpu.memory_space<vmem>>) semaphore(%arg22 : memref<!tpu.dma_semaphore, #tpu.memory_space<semaphore_mem>>) {add = true}
    %get3A = arith.constant 0 : index
    %get3A_55 = tpu.vector_load %arg11[%get3A] {strides = array<i32>} : memref<128xi32, #tpu.memory_space<vmem>>, vector<16xi32>,
    tpu.vector_store_idx %arg24[%get3A_55], %broadcast_in_dim3A_3 {add = true} : memref<10240xf32, #tpu.memory_space<vmem>>[vector<16xi32>], vector<16xf32>,
    %get3A_56 = arith.constant 16 : index
    %get3A_57 = tpu.vector_load %arg11[%get3A_56] {strides = array<i32>} : memref<128xi32, #tpu.memory_space<vmem>>, vector<16xi32>,
    tpu.vector_store_idx %arg24[%get3A_57], %broadcast_in_dim3A_3 {add = true} : memref<10240xf32, #tpu.memory_space<vmem>>[vector<16xi32>], vector<16xf32>,
    %get3A_58 = arith.constant 32 : index
    %get3A_59 = tpu.vector_load %arg11[%get3A_58] {strides = array<i32>} : memref<128xi32, #tpu.memory_space<vmem>>, vector<16xi32>,
    tpu.vector_store_idx %arg24[%get3A_59], %broadcast_in_dim3A_3 {add = true} : memref<10240xf32, #tpu.memory_space<vmem>>[vector<16xi32>], vector<16xf32>,
    %get3A_60 = arith.constant 48 : index
    %get3A_61 = tpu.vector_load %arg11[%get3A_60] {strides = array<i32>} : memref<128xi32, #tpu.memory_space<vmem>>, vector<16xi32>,
    tpu.vector_store_idx %arg24[%get3A_61], %broadcast_in_dim3A_3 {add = true} : memref<10240xf32, #tpu.memory_space<vmem>>[vector<16xi32>], vector<16xf32>,
    %get3A_62 = arith.constant 64 : index
    %get3A_63 = tpu.vector_load %arg11[%get3A_62] {strides = array<i32>} : memref<128xi32, #tpu.memory_space<vmem>>, vector<16xi32>,
    tpu.vector_store_idx %arg24[%get3A_63], %broadcast_in_dim3A_3 {add = true} : memref<10240xf32, #tpu.memory_space<vmem>>[vector<16xi32>], vector<16xf32>,
    %get3A_64 = arith.constant 80 : index
    %get3A_65 = tpu.vector_load %arg11[%get3A_64] {strides = array<i32>} : memref<128xi32, #tpu.memory_space<vmem>>, vector<16xi32>,
    tpu.vector_store_idx %arg24[%get3A_65], %broadcast_in_dim3A_3 {add = true} : memref<10240xf32, #tpu.memory_space<vmem>>[vector<16xi32>], vector<16xf32>,
    %get3A_66 = arith.constant 96 : index
    %get3A_67 = tpu.vector_load %arg11[%get3A_66] {strides = array<i32>} : memref<128xi32, #tpu.memory_space<vmem>>, vector<16xi32>,
    tpu.vector_store_idx %arg24[%get3A_67], %broadcast_in_dim3A_3 {add = true} : memref<10240xf32, #tpu.memory_space<vmem>>[vector<16xi32>], vector<16xf32>,
    %get3A_68 = arith.constant 112 : index
    %get3A_69 = tpu.vector_load %arg11[%get3A_68] {strides = array<i32>} : memref<128xi32, #tpu.memory_space<vmem>>, vector<16xi32>,
    tpu.vector_store_idx %arg24[%get3A_69], %broadcast_in_dim3A_3 {add = true} : memref<10240xf32, #tpu.memory_space<vmem>>[vector<16xi32>], vector<16xf32>,
    %dma_wait3A_70 = arith.constant 0 : i32
    %dma_wait3A_71 = arith.constant 0 : i32
    %dma_wait3A_72 = tpu.memref_slice %arg2[%dma_wait3A_70, %dma_wait3A_71] : memref<10000x128xf32, #tpu.memory_space<hbm>> -> memref<10000x128xf32, #tpu.memory_space<hbm>>
    tpu.wait_indirect_dma semaphore(%arg21 : memref<!tpu.dma_semaphore, #tpu.memory_space<semaphore_mem>>) src(%dma_wait3A_72 : memref<10000x128xf32, #tpu.memory_space<hbm>>) dst(%arg14 : memref<128x128xf32, #tpu.memory_space<vmem>>)
    %dma_wait3A_73 = arith.constant 0 : i32
    %dma_wait3A_74 = arith.constant 0 : i32
    %dma_wait3A_75 = tpu.memref_slice %arg15[%dma_wait3A_73, %dma_wait3A_74] : memref<10240x128xf32, #tpu.memory_space<vmem_shared>> -> memref<10240x128xf32, #tpu.memory_space<vmem_shared>>
    tpu.wait_indirect_dma semaphore(%arg22 : memref<!tpu.dma_semaphore, #tpu.memory_space<semaphore_mem>>) src(%arg13 : memref<128x128xf32, #tpu.memory_space<vmem>>) dst(%dma_wait3A_75 : memref<10240x128xf32, #tpu.memory_space<vmem_shared>>)
    %add3A_76 = arith.constant 256 : i32
    %add3A_77 = arith.addi %mul3A_5, %add3A_76 : i32
    %multiple_of3A_78 = tpu.assume_multiple %add3A_77, 8 : i32
    %dma_start3A_79 = tpu.memref_slice %arg4[%multiple_of3A_78] : memref<327680xi32, #tpu.memory_space<hbm>> -> memref<128xi32, #tpu.memory_space<hbm>>
    %dma_start3A_80 = tpu.memref_slice %arg4[%multiple_of3A_78] : memref<327680xi32, #tpu.memory_space<hbm>> -> memref<128xi32, #tpu.memory_space<hbm>>
    tpu.enqueue_dma source(%dma_start3A_80 : memref<128xi32, #tpu.memory_space<hbm>>) target(%arg11 : memref<128xi32, #tpu.memory_space<vmem>>) target_semaphore(%arg18 : memref<!tpu.dma_semaphore, #tpu.memory_space<semaphore_mem>>)
    %add3A_81 = arith.constant 256 : i32
    %add3A_82 = arith.addi %mul3A_5, %add3A_81 : i32
    %multiple_of3A_83 = tpu.assume_multiple %add3A_82, 8 : i32
    %dma_wait3A_84 = tpu.memref_slice %arg3[%multiple_of3A_83] : memref<327680xi32, #tpu.memory_space<hbm>> -> memref<128xi32, #tpu.memory_space<hbm>>
    %dma_wait3A_85 = tpu.memref_slice %arg3[%multiple_of3A_83] : memref<327680xi32, #tpu.memory_space<hbm>> -> memref<128xi32, #tpu.memory_space<hbm>>
    tpu.wait_dma2 semaphore(%arg16 : memref<!tpu.dma_semaphore, #tpu.memory_space<semaphore_mem>>) src(%dma_wait3A_85 : memref<128xi32, #tpu.memory_space<hbm>>) dst(%arg9 : memref<128xi32, #tpu.memory_space<vmem>>)
    %dma_start3A_86 = arith.constant 0 : i32
    %dma_start3A_87 = arith.constant 0 : i32
    %dma_start3A_88 = tpu.memref_slice %arg2[%dma_start3A_86, %dma_start3A_87] : memref<10000x128xf32, #tpu.memory_space<hbm>> -> memref<10000x128xf32, #tpu.memory_space<hbm>>
    tpu.enqueue_indirect_dma source(%dma_start3A_88 : memref<10000x128xf32, #tpu.memory_space<hbm>>) target(%arg13 : memref<128x128xf32, #tpu.memory_space<vmem>>) offsets(%arg9 : memref<128xi32, #tpu.memory_space<vmem>>) semaphore(%arg20 : memref<!tpu.dma_semaphore, #tpu.memory_space<semaphore_mem>>)
    %add3A_89 = arith.constant 384 : i32
    %add3A_90 = arith.addi %mul3A_5, %add3A_89 : i32
    %multiple_of3A_91 = tpu.assume_multiple %add3A_90, 8 : i32
    %dma_start3A_92 = tpu.memref_slice %arg3[%multiple_of3A_91] : memref<327680xi32, #tpu.memory_space<hbm>> -> memref<128xi32, #tpu.memory_space<hbm>>
    %dma_start3A_93 = tpu.memref_slice %arg3[%multiple_of3A_91] : memref<327680xi32, #tpu.memory_space<hbm>> -> memref<128xi32, #tpu.memory_space<hbm>>
    tpu.enqueue_dma source(%dma_start3A_93 : memref<128xi32, #tpu.memory_space<hbm>>) target(%arg10 : memref<128xi32, #tpu.memory_space<vmem>>) target_semaphore(%arg17 : memref<!tpu.dma_semaphore, #tpu.memory_space<semaphore_mem>>)
    %add3A_94 = arith.constant 128 : i32
    %add3A_95 = arith.addi %mul3A_5, %add3A_94 : i32
    %multiple_of3A_96 = tpu.assume_multiple %add3A_95, 8 : i32
    %dma_wait3A_97 = tpu.memref_slice %arg4[%multiple_of3A_96] : memref<327680xi32, #tpu.memory_space<hbm>> -> memref<128xi32, #tpu.memory_space<hbm>>
    %dma_wait3A_98 = tpu.memref_slice %arg4[%multiple_of3A_96] : memref<327680xi32, #tpu.memory_space<hbm>> -> memref<128xi32, #tpu.memory_space<hbm>>
    tpu.wait_dma2 semaphore(%arg19 : memref<!tpu.dma_semaphore, #tpu.memory_space<semaphore_mem>>) src(%dma_wait3A_98 : memref<128xi32, #tpu.memory_space<hbm>>) dst(%arg12 : memref<128xi32, #tpu.memory_space<vmem>>)
    %dma_start3A_99 = arith.constant 0 : i32
    %dma_start3A_100 = arith.constant 0 : i32
    %dma_start3A_101 = tpu.memref_slice %arg15[%dma_start3A_99, %dma_start3A_100] : memref<10240x128xf32, #tpu.memory_space<vmem_shared>> -> memref<10240x128xf32, #tpu.memory_space<vmem_shared>>
    tpu.enqueue_indirect_dma source(%arg14 : memref<128x128xf32, #tpu.memory_space<vmem>>) target(%dma_start3A_101 : memref<10240x128xf32, #tpu.memory_space<vmem_shared>>) offsets(%arg12 : memref<128xi32, #tpu.memory_space<vmem>>) semaphore(%arg23 : memref<!tpu.dma_semaphore, #tpu.memory_space<semaphore_mem>>) {add = true}
    %get3A_102 = arith.constant 0 : index
    %get3A_103 = tpu.vector_load %arg12[%get3A_102] {strides = array<i32>} : memref<128xi32, #tpu.memory_space<vmem>>, vector<16xi32>,
    tpu.vector_store_idx %arg24[%get3A_103], %broadcast_in_dim3A_3 {add = true} : memref<10240xf32, #tpu.memory_space<vmem>>[vector<16xi32>], vector<16xf32>,
    %get3A_104 = arith.constant 16 : index
    %get3A_105 = tpu.vector_load %arg12[%get3A_104] {strides = array<i32>} : memref<128xi32, #tpu.memory_space<vmem>>, vector<16xi32>,
    tpu.vector_store_idx %arg24[%get3A_105], %broadcast_in_dim3A_3 {add = true} : memref<10240xf32, #tpu.memory_space<vmem>>[vector<16xi32>], vector<16xf32>,
    %get3A_106 = arith.constant 32 : index
    %get3A_107 = tpu.vector_load %arg12[%get3A_106] {strides = array<i32>} : memref<128xi32, #tpu.memory_space<vmem>>, vector<16xi32>,
    tpu.vector_store_idx %arg24[%get3A_107], %broadcast_in_dim3A_3 {add = true} : memref<10240xf32, #tpu.memory_space<vmem>>[vector<16xi32>], vector<16xf32>,
    %get3A_108 = arith.constant 48 : index
    %get3A_109 = tpu.vector_load %arg12[%get3A_108] {strides = array<i32>} : memref<128xi32, #tpu.memory_space<vmem>>, vector<16xi32>,
    tpu.vector_store_idx %arg24[%get3A_109], %broadcast_in_dim3A_3 {add = true} : memref<10240xf32, #tpu.memory_space<vmem>>[vector<16xi32>], vector<16xf32>,
    %get3A_110 = arith.constant 64 : index
    %get3A_111 = tpu.vector_load %arg12[%get3A_110] {strides = array<i32>} : memref<128xi32, #tpu.memory_space<vmem>>, vector<16xi32>,
    tpu.vector_store_idx %arg24[%get3A_111], %broadcast_in_dim3A_3 {add = true} : memref<10240xf32, #tpu.memory_space<vmem>>[vector<16xi32>], vector<16xf32>,
    %get3A_112 = arith.constant 80 : index
    %get3A_113 = tpu.vector_load %arg12[%get3A_112] {strides = array<i32>} : memref<128xi32, #tpu.memory_space<vmem>>, vector<16xi32>,
    tpu.vector_store_idx %arg24[%get3A_113], %broadcast_in_dim3A_3 {add = true} : memref<10240xf32, #tpu.memory_space<vmem>>[vector<16xi32>], vector<16xf32>,
    %get3A_114 = arith.constant 96 : index
    %get3A_115 = tpu.vector_load %arg12[%get3A_114] {strides = array<i32>} : memref<128xi32, #tpu.memory_space<vmem>>, vector<16xi32>,
    tpu.vector_store_idx %arg24[%get3A_115], %broadcast_in_dim3A_3 {add = true} : memref<10240xf32, #tpu.memory_space<vmem>>[vector<16xi32>], vector<16xf32>,
    %get3A_116 = arith.constant 112 : index
    %get3A_117 = tpu.vector_load %arg12[%get3A_116] {strides = array<i32>} : memref<128xi32, #tpu.memory_space<vmem>>, vector<16xi32>,
    tpu.vector_store_idx %arg24[%get3A_117], %broadcast_in_dim3A_3 {add = true} : memref<10240xf32, #tpu.memory_space<vmem>>[vector<16xi32>], vector<16xf32>,
    %scan3A = arith.constant 0 : i32
    %scan3A_118 = arith.constant 1 : i32
    %scan3A_119 = arith.constant 38 : i32
    %scan3A_120 = arith.addi %scan3A_118, %scan3A_119 : i32
    %scan3A_121 = arith.constant 1 : i32
    scf.for %scan3A_202 = %scan3A_118 to %scan3A_120 step %scan3A_121  : i32 {
      %mul3A_203 = arith.constant 2 : i32
      %mul3A_204 = arith.muli %mul3A_203, %scan3A_202 : i32
      %add3A_205 = arith.constant 1 : i32
      %add3A_206 = arith.addi %mul3A_204, %add3A_205 : i32
      %dma_wait3A_207 = arith.constant 0 : i32
      %dma_wait3A_208 = arith.constant 0 : i32
      %dma_wait3A_209 = tpu.memref_slice %arg2[%dma_wait3A_207, %dma_wait3A_208] : memref<10000x128xf32, #tpu.memory_space<hbm>> -> memref<10000x128xf32, #tpu.memory_space<hbm>>
      tpu.wait_indirect_dma semaphore(%arg20 : memref<!tpu.dma_semaphore, #tpu.memory_space<semaphore_mem>>) src(%dma_wait3A_209 : memref<10000x128xf32, #tpu.memory_space<hbm>>) dst(%arg13 : memref<128x128xf32, #tpu.memory_space<vmem>>)
      %add3A_210 = arith.constant 2 : i32
      %add3A_211 = arith.addi %mul3A_204, %add3A_210 : i32
      %mul3A_212 = arith.constant 128 : i32
      %mul3A_213 = arith.muli %add3A_211, %mul3A_212 : i32
      %add3A_214 = arith.addi %mul3A_5, %mul3A_213 : i32
      %multiple_of3A_215 = tpu.assume_multiple %add3A_214, 8 : i32
      %dma_start3A_216 = tpu.memref_slice %arg3[%multiple_of3A_215] : memref<327680xi32, #tpu.memory_space<hbm>> -> memref<128xi32, #tpu.memory_space<hbm>>
      %dma_start3A_217 = tpu.memref_slice %arg3[%multiple_of3A_215] : memref<327680xi32, #tpu.memory_space<hbm>> -> memref<128xi32, #tpu.memory_space<hbm>>
      tpu.enqueue_dma source(%dma_start3A_217 : memref<128xi32, #tpu.memory_space<hbm>>) target(%arg9 : memref<128xi32, #tpu.memory_space<vmem>>) target_semaphore(%arg16 : memref<!tpu.dma_semaphore, #tpu.memory_space<semaphore_mem>>)
      %dma_wait3A_218 = arith.constant 0 : i32
      %dma_wait3A_219 = arith.constant 0 : i32
      %dma_wait3A_220 = tpu.memref_slice %arg15[%dma_wait3A_218, %dma_wait3A_219] : memref<10240x128xf32, #tpu.memory_space<vmem_shared>> -> memref<10240x128xf32, #tpu.memory_space<vmem_shared>>
      tpu.wait_indirect_dma semaphore(%arg23 : memref<!tpu.dma_semaphore, #tpu.memory_space<semaphore_mem>>) src(%arg14 : memref<128x128xf32, #tpu.memory_space<vmem>>) dst(%dma_wait3A_220 : memref<10240x128xf32, #tpu.memory_space<vmem_shared>>)
      %mul3A_221 = arith.constant 128 : i32
      %mul3A_222 = arith.muli %add3A_206, %mul3A_221 : i32
      %add3A_223 = arith.addi %mul3A_5, %mul3A_222 : i32
      %multiple_of3A_224 = tpu.assume_multiple %add3A_223, 8 : i32
      %dma_start3A_225 = tpu.memref_slice %arg4[%multiple_of3A_224] : memref<327680xi32, #tpu.memory_space<hbm>> -> memref<128xi32, #tpu.memory_space<hbm>>
      %dma_start3A_226 = tpu.memref_slice %arg4[%multiple_of3A_224] : memref<327680xi32, #tpu.memory_space<hbm>> -> memref<128xi32, #tpu.memory_space<hbm>>
      tpu.enqueue_dma source(%dma_start3A_226 : memref<128xi32, #tpu.memory_space<hbm>>) target(%arg12 : memref<128xi32, #tpu.memory_space<vmem>>) target_semaphore(%arg19 : memref<!tpu.dma_semaphore, #tpu.memory_space<semaphore_mem>>)
      %mul3A_227 = arith.constant 128 : i32
      %mul3A_228 = arith.muli %add3A_206, %mul3A_227 : i32
      %add3A_229 = arith.addi %mul3A_5, %mul3A_228 : i32
      %multiple_of3A_230 = tpu.assume_multiple %add3A_229, 8 : i32
      %dma_wait3A_231 = tpu.memref_slice %arg3[%multiple_of3A_230] : memref<327680xi32, #tpu.memory_space<hbm>> -> memref<128xi32, #tpu.memory_space<hbm>>
      %dma_wait3A_232 = tpu.memref_slice %arg3[%multiple_of3A_230] : memref<327680xi32, #tpu.memory_space<hbm>> -> memref<128xi32, #tpu.memory_space<hbm>>
      tpu.wait_dma2 semaphore(%arg17 : memref<!tpu.dma_semaphore, #tpu.memory_space<semaphore_mem>>) src(%dma_wait3A_232 : memref<128xi32, #tpu.memory_space<hbm>>) dst(%arg10 : memref<128xi32, #tpu.memory_space<vmem>>)
      %dma_start3A_233 = arith.constant 0 : i32
      %dma_start3A_234 = arith.constant 0 : i32
      %dma_start3A_235 = tpu.memref_slice %arg2[%dma_start3A_233, %dma_start3A_234] : memref<10000x128xf32, #tpu.memory_space<hbm>> -> memref<10000x128xf32, #tpu.memory_space<hbm>>
      tpu.enqueue_indirect_dma source(%dma_start3A_235 : memref<10000x128xf32, #tpu.memory_space<hbm>>) target(%arg14 : memref<128x128xf32, #tpu.memory_space<vmem>>) offsets(%arg10 : memref<128xi32, #tpu.memory_space<vmem>>) semaphore(%arg21 : memref<!tpu.dma_semaphore, #tpu.memory_space<semaphore_mem>>)
      %mul3A_236 = arith.constant 128 : i32
      %mul3A_237 = arith.muli %mul3A_204, %mul3A_236 : i32
      %add3A_238 = arith.addi %mul3A_5, %mul3A_237 : i32
      %multiple_of3A_239 = tpu.assume_multiple %add3A_238, 8 : i32
      %dma_wait3A_240 = tpu.memref_slice %arg4[%multiple_of3A_239] : memref<327680xi32, #tpu.memory_space<hbm>> -> memref<128xi32, #tpu.memory_space<hbm>>
      %dma_wait3A_241 = tpu.memref_slice %arg4[%multiple_of3A_239] : memref<327680xi32, #tpu.memory_space<hbm>> -> memref<128xi32, #tpu.memory_space<hbm>>
      tpu.wait_dma2 semaphore(%arg18 : memref<!tpu.dma_semaphore, #tpu.memory_space<semaphore_mem>>) src(%dma_wait3A_241 : memref<128xi32, #tpu.memory_space<hbm>>) dst(%arg11 : memref<128xi32, #tpu.memory_space<vmem>>)
      %dma_start3A_242 = arith.constant 0 : i32
      %dma_start3A_243 = arith.constant 0 : i32
      %dma_start3A_244 = tpu.memref_slice %arg15[%dma_start3A_242, %dma_start3A_243] : memref<10240x128xf32, #tpu.memory_space<vmem_shared>> -> memref<10240x128xf32, #tpu.memory_space<vmem_shared>>
      tpu.enqueue_indirect_dma source(%arg13 : memref<128x128xf32, #tpu.memory_space<vmem>>) target(%dma_start3A_244 : memref<10240x128xf32, #tpu.memory_space<vmem_shared>>) offsets(%arg11 : memref<128xi32, #tpu.memory_space<vmem>>) semaphore(%arg22 : memref<!tpu.dma_semaphore, #tpu.memory_space<semaphore_mem>>) {add = true}
      %get3A_245 = arith.constant 0 : index
      %get3A_246 = tpu.vector_load %arg11[%get3A_245] {strides = array<i32>} : memref<128xi32, #tpu.memory_space<vmem>>, vector<16xi32>,
      tpu.vector_store_idx %arg24[%get3A_246], %broadcast_in_dim3A_3 {add = true} : memref<10240xf32, #tpu.memory_space<vmem>>[vector<16xi32>], vector<16xf32>,
      %get3A_247 = arith.constant 16 : index
      %get3A_248 = tpu.vector_load %arg11[%get3A_247] {strides = array<i32>} : memref<128xi32, #tpu.memory_space<vmem>>, vector<16xi32>,
      tpu.vector_store_idx %arg24[%get3A_248], %broadcast_in_dim3A_3 {add = true} : memref<10240xf32, #tpu.memory_space<vmem>>[vector<16xi32>], vector<16xf32>,
      %get3A_249 = arith.constant 32 : index
      %get3A_250 = tpu.vector_load %arg11[%get3A_249] {strides = array<i32>} : memref<128xi32, #tpu.memory_space<vmem>>, vector<16xi32>,
      tpu.vector_store_idx %arg24[%get3A_250], %broadcast_in_dim3A_3 {add = true} : memref<10240xf32, #tpu.memory_space<vmem>>[vector<16xi32>], vector<16xf32>,
      %get3A_251 = arith.constant 48 : index
      %get3A_252 = tpu.vector_load %arg11[%get3A_251] {strides = array<i32>} : memref<128xi32, #tpu.memory_space<vmem>>, vector<16xi32>,
      tpu.vector_store_idx %arg24[%get3A_252], %broadcast_in_dim3A_3 {add = true} : memref<10240xf32, #tpu.memory_space<vmem>>[vector<16xi32>], vector<16xf32>,
      %get3A_253 = arith.constant 64 : index
      %get3A_254 = tpu.vector_load %arg11[%get3A_253] {strides = array<i32>} : memref<128xi32, #tpu.memory_space<vmem>>, vector<16xi32>,
      tpu.vector_store_idx %arg24[%get3A_254], %broadcast_in_dim3A_3 {add = true} : memref<10240xf32, #tpu.memory_space<vmem>>[vector<16xi32>], vector<16xf32>,
      %get3A_255 = arith.constant 80 : index
      %get3A_256 = tpu.vector_load %arg11[%get3A_255] {strides = array<i32>} : memref<128xi32, #tpu.memory_space<vmem>>, vector<16xi32>,
      tpu.vector_store_idx %arg24[%get3A_256], %broadcast_in_dim3A_3 {add = true} : memref<10240xf32, #tpu.memory_space<vmem>>[vector<16xi32>], vector<16xf32>,
      %get3A_257 = arith.constant 96 : index
      %get3A_258 = tpu.vector_load %arg11[%get3A_257] {strides = array<i32>} : memref<128xi32, #tpu.memory_space<vmem>>, vector<16xi32>,
      tpu.vector_store_idx %arg24[%get3A_258], %broadcast_in_dim3A_3 {add = true} : memref<10240xf32, #tpu.memory_space<vmem>>[vector<16xi32>], vector<16xf32>,
      %get3A_259 = arith.constant 112 : index
      %get3A_260 = tpu.vector_load %arg11[%get3A_259] {strides = array<i32>} : memref<128xi32, #tpu.memory_space<vmem>>, vector<16xi32>,
      tpu.vector_store_idx %arg24[%get3A_260], %broadcast_in_dim3A_3 {add = true} : memref<10240xf32, #tpu.memory_space<vmem>>[vector<16xi32>], vector<16xf32>,
      %dma_wait3A_261 = arith.constant 0 : i32
      %dma_wait3A_262 = arith.constant 0 : i32
      %dma_wait3A_263 = tpu.memref_slice %arg2[%dma_wait3A_261, %dma_wait3A_262] : memref<10000x128xf32, #tpu.memory_space<hbm>> -> memref<10000x128xf32, #tpu.memory_space<hbm>>
      tpu.wait_indirect_dma semaphore(%arg21 : memref<!tpu.dma_semaphore, #tpu.memory_space<semaphore_mem>>) src(%dma_wait3A_263 : memref<10000x128xf32, #tpu.memory_space<hbm>>) dst(%arg14 : memref<128x128xf32, #tpu.memory_space<vmem>>)
      %dma_wait3A_264 = arith.constant 0 : i32
      %dma_wait3A_265 = arith.constant 0 : i32
      %dma_wait3A_266 = tpu.memref_slice %arg15[%dma_wait3A_264, %dma_wait3A_265] : memref<10240x128xf32, #tpu.memory_space<vmem_shared>> -> memref<10240x128xf32, #tpu.memory_space<vmem_shared>>
      tpu.wait_indirect_dma semaphore(%arg22 : memref<!tpu.dma_semaphore, #tpu.memory_space<semaphore_mem>>) src(%arg13 : memref<128x128xf32, #tpu.memory_space<vmem>>) dst(%dma_wait3A_266 : memref<10240x128xf32, #tpu.memory_space<vmem_shared>>)
      %add3A_267 = arith.constant 2 : i32
      %add3A_268 = arith.addi %mul3A_204, %add3A_267 : i32
      %mul3A_269 = arith.constant 128 : i32
      %mul3A_270 = arith.muli %add3A_268, %mul3A_269 : i32
      %add3A_271 = arith.addi %mul3A_5, %mul3A_270 : i32
      %multiple_of3A_272 = tpu.assume_multiple %add3A_271, 8 : i32
      %dma_start3A_273 = tpu.memref_slice %arg4[%multiple_of3A_272] : memref<327680xi32, #tpu.memory_space<hbm>> -> memref<128xi32, #tpu.memory_space<hbm>>
      %dma_start3A_274 = tpu.memref_slice %arg4[%multiple_of3A_272] : memref<327680xi32, #tpu.memory_space<hbm>> -> memref<128xi32, #tpu.memory_space<hbm>>
      tpu.enqueue_dma source(%dma_start3A_274 : memref<128xi32, #tpu.memory_space<hbm>>) target(%arg11 : memref<128xi32, #tpu.memory_space<vmem>>) target_semaphore(%arg18 : memref<!tpu.dma_semaphore, #tpu.memory_space<semaphore_mem>>)
      %add3A_275 = arith.constant 2 : i32
      %add3A_276 = arith.addi %mul3A_204, %add3A_275 : i32
      %mul3A_277 = arith.constant 128 : i32
      %mul3A_278 = arith.muli %add3A_276, %mul3A_277 : i32
      %add3A_279 = arith.addi %mul3A_5, %mul3A_278 : i32
      %multiple_of3A_280 = tpu.assume_multiple %add3A_279, 8 : i32
      %dma_wait3A_281 = tpu.memref_slice %arg3[%multiple_of3A_280] : memref<327680xi32, #tpu.memory_space<hbm>> -> memref<128xi32, #tpu.memory_space<hbm>>
      %dma_wait3A_282 = tpu.memref_slice %arg3[%multiple_of3A_280] : memref<327680xi32, #tpu.memory_space<hbm>> -> memref<128xi32, #tpu.memory_space<hbm>>
      tpu.wait_dma2 semaphore(%arg16 : memref<!tpu.dma_semaphore, #tpu.memory_space<semaphore_mem>>) src(%dma_wait3A_282 : memref<128xi32, #tpu.memory_space<hbm>>) dst(%arg9 : memref<128xi32, #tpu.memory_space<vmem>>)
      %dma_start3A_283 = arith.constant 0 : i32
      %dma_start3A_284 = arith.constant 0 : i32
      %dma_start3A_285 = tpu.memref_slice %arg2[%dma_start3A_283, %dma_start3A_284] : memref<10000x128xf32, #tpu.memory_space<hbm>> -> memref<10000x128xf32, #tpu.memory_space<hbm>>
      tpu.enqueue_indirect_dma source(%dma_start3A_285 : memref<10000x128xf32, #tpu.memory_space<hbm>>) target(%arg13 : memref<128x128xf32, #tpu.memory_space<vmem>>) offsets(%arg9 : memref<128xi32, #tpu.memory_space<vmem>>) semaphore(%arg20 : memref<!tpu.dma_semaphore, #tpu.memory_space<semaphore_mem>>)
      %add3A_286 = arith.constant 3 : i32
      %add3A_287 = arith.addi %mul3A_204, %add3A_286 : i32
      %mul3A_288 = arith.constant 128 : i32
      %mul3A_289 = arith.muli %add3A_287, %mul3A_288 : i32
      %add3A_290 = arith.addi %mul3A_5, %mul3A_289 : i32
      %multiple_of3A_291 = tpu.assume_multiple %add3A_290, 8 : i32
      %dma_start3A_292 = tpu.memref_slice %arg3[%multiple_of3A_291] : memref<327680xi32, #tpu.memory_space<hbm>> -> memref<128xi32, #tpu.memory_space<hbm>>
      %dma_start3A_293 = tpu.memref_slice %arg3[%multiple_of3A_291] : memref<327680xi32, #tpu.memory_space<hbm>> -> memref<128xi32, #tpu.memory_space<hbm>>
      tpu.enqueue_dma source(%dma_start3A_293 : memref<128xi32, #tpu.memory_space<hbm>>) target(%arg10 : memref<128xi32, #tpu.memory_space<vmem>>) target_semaphore(%arg17 : memref<!tpu.dma_semaphore, #tpu.memory_space<semaphore_mem>>)
      %mul3A_294 = arith.constant 128 : i32
      %mul3A_295 = arith.muli %add3A_206, %mul3A_294 : i32
      %add3A_296 = arith.addi %mul3A_5, %mul3A_295 : i32
      %multiple_of3A_297 = tpu.assume_multiple %add3A_296, 8 : i32
      %dma_wait3A_298 = tpu.memref_slice %arg4[%multiple_of3A_297] : memref<327680xi32, #tpu.memory_space<hbm>> -> memref<128xi32, #tpu.memory_space<hbm>>
      %dma_wait3A_299 = tpu.memref_slice %arg4[%multiple_of3A_297] : memref<327680xi32, #tpu.memory_space<hbm>> -> memref<128xi32, #tpu.memory_space<hbm>>
      tpu.wait_dma2 semaphore(%arg19 : memref<!tpu.dma_semaphore, #tpu.memory_space<semaphore_mem>>) src(%dma_wait3A_299 : memref<128xi32, #tpu.memory_space<hbm>>) dst(%arg12 : memref<128xi32, #tpu.memory_space<vmem>>)
      %dma_start3A_300 = arith.constant 0 : i32
      %dma_start3A_301 = arith.constant 0 : i32
      %dma_start3A_302 = tpu.memref_slice %arg15[%dma_start3A_300, %dma_start3A_301] : memref<10240x128xf32, #tpu.memory_space<vmem_shared>> -> memref<10240x128xf32, #tpu.memory_space<vmem_shared>>
      tpu.enqueue_indirect_dma source(%arg14 : memref<128x128xf32, #tpu.memory_space<vmem>>) target(%dma_start3A_302 : memref<10240x128xf32, #tpu.memory_space<vmem_shared>>) offsets(%arg12 : memref<128xi32, #tpu.memory_space<vmem>>) semaphore(%arg23 : memref<!tpu.dma_semaphore, #tpu.memory_space<semaphore_mem>>) {add = true}
      %get3A_303 = arith.constant 0 : index
      %get3A_304 = tpu.vector_load %arg12[%get3A_303] {strides = array<i32>} : memref<128xi32, #tpu.memory_space<vmem>>, vector<16xi32>,
      tpu.vector_store_idx %arg24[%get3A_304], %broadcast_in_dim3A_3 {add = true} : memref<10240xf32, #tpu.memory_space<vmem>>[vector<16xi32>], vector<16xf32>,
      %get3A_305 = arith.constant 16 : index
      %get3A_306 = tpu.vector_load %arg12[%get3A_305] {strides = array<i32>} : memref<128xi32, #tpu.memory_space<vmem>>, vector<16xi32>,
      tpu.vector_store_idx %arg24[%get3A_306], %broadcast_in_dim3A_3 {add = true} : memref<10240xf32, #tpu.memory_space<vmem>>[vector<16xi32>], vector<16xf32>,
      %get3A_307 = arith.constant 32 : index
      %get3A_308 = tpu.vector_load %arg12[%get3A_307] {strides = array<i32>} : memref<128xi32, #tpu.memory_space<vmem>>, vector<16xi32>,
      tpu.vector_store_idx %arg24[%get3A_308], %broadcast_in_dim3A_3 {add = true} : memref<10240xf32, #tpu.memory_space<vmem>>[vector<16xi32>], vector<16xf32>,
      %get3A_309 = arith.constant 48 : index
      %get3A_310 = tpu.vector_load %arg12[%get3A_309] {strides = array<i32>} : memref<128xi32, #tpu.memory_space<vmem>>, vector<16xi32>,
      tpu.vector_store_idx %arg24[%get3A_310], %broadcast_in_dim3A_3 {add = true} : memref<10240xf32, #tpu.memory_space<vmem>>[vector<16xi32>], vector<16xf32>,
      %get3A_311 = arith.constant 64 : index
      %get3A_312 = tpu.vector_load %arg12[%get3A_311] {strides = array<i32>} : memref<128xi32, #tpu.memory_space<vmem>>, vector<16xi32>,
      tpu.vector_store_idx %arg24[%get3A_312], %broadcast_in_dim3A_3 {add = true} : memref<10240xf32, #tpu.memory_space<vmem>>[vector<16xi32>], vector<16xf32>,
      %get3A_313 = arith.constant 80 : index
      %get3A_314 = tpu.vector_load %arg12[%get3A_313] {strides = array<i32>} : memref<128xi32, #tpu.memory_space<vmem>>, vector<16xi32>,
      tpu.vector_store_idx %arg24[%get3A_314], %broadcast_in_dim3A_3 {add = true} : memref<10240xf32, #tpu.memory_space<vmem>>[vector<16xi32>], vector<16xf32>,
      %get3A_315 = arith.constant 96 : index
      %get3A_316 = tpu.vector_load %arg12[%get3A_315] {strides = array<i32>} : memref<128xi32, #tpu.memory_space<vmem>>, vector<16xi32>,
      tpu.vector_store_idx %arg24[%get3A_316], %broadcast_in_dim3A_3 {add = true} : memref<10240xf32, #tpu.memory_space<vmem>>[vector<16xi32>], vector<16xf32>,
      %get3A_317 = arith.constant 112 : index
      %get3A_318 = tpu.vector_load %arg12[%get3A_317] {strides = array<i32>} : memref<128xi32, #tpu.memory_space<vmem>>, vector<16xi32>,
      tpu.vector_store_idx %arg24[%get3A_318], %broadcast_in_dim3A_3 {add = true} : memref<10240xf32, #tpu.memory_space<vmem>>[vector<16xi32>], vector<16xf32>,
    }
    %scan3A_122 = arith.constant 38 : i32
    %dma_wait3A_123 = arith.constant 0 : i32
    %dma_wait3A_124 = arith.constant 0 : i32
    %dma_wait3A_125 = tpu.memref_slice %arg2[%dma_wait3A_123, %dma_wait3A_124] : memref<10000x128xf32, #tpu.memory_space<hbm>> -> memref<10000x128xf32, #tpu.memory_space<hbm>>
    tpu.wait_indirect_dma semaphore(%arg20 : memref<!tpu.dma_semaphore, #tpu.memory_space<semaphore_mem>>) src(%dma_wait3A_125 : memref<10000x128xf32, #tpu.memory_space<hbm>>) dst(%arg13 : memref<128x128xf32, #tpu.memory_space<vmem>>)
    %dma_wait3A_126 = arith.constant 0 : i32
    %dma_wait3A_127 = arith.constant 0 : i32
    %dma_wait3A_128 = tpu.memref_slice %arg15[%dma_wait3A_126, %dma_wait3A_127] : memref<10240x128xf32, #tpu.memory_space<vmem_shared>> -> memref<10240x128xf32, #tpu.memory_space<vmem_shared>>
    tpu.wait_indirect_dma semaphore(%arg23 : memref<!tpu.dma_semaphore, #tpu.memory_space<semaphore_mem>>) src(%arg14 : memref<128x128xf32, #tpu.memory_space<vmem>>) dst(%dma_wait3A_128 : memref<10240x128xf32, #tpu.memory_space<vmem_shared>>)
    %add3A_129 = arith.constant 10112 : i32
    %add3A_130 = arith.addi %mul3A_5, %add3A_129 : i32
    %multiple_of3A_131 = tpu.assume_multiple %add3A_130, 8 : i32
    %dma_start3A_132 = tpu.memref_slice %arg4[%multiple_of3A_131] : memref<327680xi32, #tpu.memory_space<hbm>> -> memref<128xi32, #tpu.memory_space<hbm>>
    %dma_start3A_133 = tpu.memref_slice %arg4[%multiple_of3A_131] : memref<327680xi32, #tpu.memory_space<hbm>> -> memref<128xi32, #tpu.memory_space<hbm>>
    tpu.enqueue_dma source(%dma_start3A_133 : memref<128xi32, #tpu.memory_space<hbm>>) target(%arg12 : memref<128xi32, #tpu.memory_space<vmem>>) target_semaphore(%arg19 : memref<!tpu.dma_semaphore, #tpu.memory_space<semaphore_mem>>)
    %add3A_134 = arith.constant 10112 : i32
    %add3A_135 = arith.addi %mul3A_5, %add3A_134 : i32
    %multiple_of3A_136 = tpu.assume_multiple %add3A_135, 8 : i32
    %dma_wait3A_137 = tpu.memref_slice %arg3[%multiple_of3A_136] : memref<327680xi32, #tpu.memory_space<hbm>> -> memref<128xi32, #tpu.memory_space<hbm>>
    %dma_wait3A_138 = tpu.memref_slice %arg3[%multiple_of3A_136] : memref<327680xi32, #tpu.memory_space<hbm>> -> memref<128xi32, #tpu.memory_space<hbm>>
    tpu.wait_dma2 semaphore(%arg17 : memref<!tpu.dma_semaphore, #tpu.memory_space<semaphore_mem>>) src(%dma_wait3A_138 : memref<128xi32, #tpu.memory_space<hbm>>) dst(%arg10 : memref<128xi32, #tpu.memory_space<vmem>>)
    %dma_start3A_139 = arith.constant 0 : i32
    %dma_start3A_140 = arith.constant 0 : i32
    %dma_start3A_141 = tpu.memref_slice %arg2[%dma_start3A_139, %dma_start3A_140] : memref<10000x128xf32, #tpu.memory_space<hbm>> -> memref<10000x128xf32, #tpu.memory_space<hbm>>
    tpu.enqueue_indirect_dma source(%dma_start3A_141 : memref<10000x128xf32, #tpu.memory_space<hbm>>) target(%arg14 : memref<128x128xf32, #tpu.memory_space<vmem>>) offsets(%arg10 : memref<128xi32, #tpu.memory_space<vmem>>) semaphore(%arg21 : memref<!tpu.dma_semaphore, #tpu.memory_space<semaphore_mem>>)
    %add3A_142 = arith.constant 9984 : i32
    %add3A_143 = arith.addi %mul3A_5, %add3A_142 : i32
    %multiple_of3A_144 = tpu.assume_multiple %add3A_143, 8 : i32
    %dma_wait3A_145 = tpu.memref_slice %arg4[%multiple_of3A_144] : memref<327680xi32, #tpu.memory_space<hbm>> -> memref<128xi32, #tpu.memory_space<hbm>>
    %dma_wait3A_146 = tpu.memref_slice %arg4[%multiple_of3A_144] : memref<327680xi32, #tpu.memory_space<hbm>> -> memref<128xi32, #tpu.memory_space<hbm>>
    tpu.wait_dma2 semaphore(%arg18 : memref<!tpu.dma_semaphore, #tpu.memory_space<semaphore_mem>>) src(%dma_wait3A_146 : memref<128xi32, #tpu.memory_space<hbm>>) dst(%arg11 : memref<128xi32, #tpu.memory_space<vmem>>)
    %dma_start3A_147 = arith.constant 0 : i32
    %dma_start3A_148 = arith.constant 0 : i32
    %dma_start3A_149 = tpu.memref_slice %arg15[%dma_start3A_147, %dma_start3A_148] : memref<10240x128xf32, #tpu.memory_space<vmem_shared>> -> memref<10240x128xf32, #tpu.memory_space<vmem_shared>>
    tpu.enqueue_indirect_dma source(%arg13 : memref<128x128xf32, #tpu.memory_space<vmem>>) target(%dma_start3A_149 : memref<10240x128xf32, #tpu.memory_space<vmem_shared>>) offsets(%arg11 : memref<128xi32, #tpu.memory_space<vmem>>) semaphore(%arg22 : memref<!tpu.dma_semaphore, #tpu.memory_space<semaphore_mem>>) {add = true}
    %get3A_150 = arith.constant 0 : index
    %get3A_151 = tpu.vector_load %arg11[%get3A_150] {strides = array<i32>} : memref<128xi32, #tpu.memory_space<vmem>>, vector<16xi32>,
    tpu.vector_store_idx %arg24[%get3A_151], %broadcast_in_dim3A_3 {add = true} : memref<10240xf32, #tpu.memory_space<vmem>>[vector<16xi32>], vector<16xf32>,
    %get3A_152 = arith.constant 16 : index
    %get3A_153 = tpu.vector_load %arg11[%get3A_152] {strides = array<i32>} : memref<128xi32, #tpu.memory_space<vmem>>, vector<16xi32>,
    tpu.vector_store_idx %arg24[%get3A_153], %broadcast_in_dim3A_3 {add = true} : memref<10240xf32, #tpu.memory_space<vmem>>[vector<16xi32>], vector<16xf32>,
    %get3A_154 = arith.constant 32 : index
    %get3A_155 = tpu.vector_load %arg11[%get3A_154] {strides = array<i32>} : memref<128xi32, #tpu.memory_space<vmem>>, vector<16xi32>,
    tpu.vector_store_idx %arg24[%get3A_155], %broadcast_in_dim3A_3 {add = true} : memref<10240xf32, #tpu.memory_space<vmem>>[vector<16xi32>], vector<16xf32>,
    %get3A_156 = arith.constant 48 : index
    %get3A_157 = tpu.vector_load %arg11[%get3A_156] {strides = array<i32>} : memref<128xi32, #tpu.memory_space<vmem>>, vector<16xi32>,
    tpu.vector_store_idx %arg24[%get3A_157], %broadcast_in_dim3A_3 {add = true} : memref<10240xf32, #tpu.memory_space<vmem>>[vector<16xi32>], vector<16xf32>,
    %get3A_158 = arith.constant 64 : index
    %get3A_159 = tpu.vector_load %arg11[%get3A_158] {strides = array<i32>} : memref<128xi32, #tpu.memory_space<vmem>>, vector<16xi32>,
    tpu.vector_store_idx %arg24[%get3A_159], %broadcast_in_dim3A_3 {add = true} : memref<10240xf32, #tpu.memory_space<vmem>>[vector<16xi32>], vector<16xf32>,
    %get3A_160 = arith.constant 80 : index
    %get3A_161 = tpu.vector_load %arg11[%get3A_160] {strides = array<i32>} : memref<128xi32, #tpu.memory_space<vmem>>, vector<16xi32>,
    tpu.vector_store_idx %arg24[%get3A_161], %broadcast_in_dim3A_3 {add = true} : memref<10240xf32, #tpu.memory_space<vmem>>[vector<16xi32>], vector<16xf32>,
    %get3A_162 = arith.constant 96 : index
    %get3A_163 = tpu.vector_load %arg11[%get3A_162] {strides = array<i32>} : memref<128xi32, #tpu.memory_space<vmem>>, vector<16xi32>,
    tpu.vector_store_idx %arg24[%get3A_163], %broadcast_in_dim3A_3 {add = true} : memref<10240xf32, #tpu.memory_space<vmem>>[vector<16xi32>], vector<16xf32>,
    %get3A_164 = arith.constant 112 : index
    %get3A_165 = tpu.vector_load %arg11[%get3A_164] {strides = array<i32>} : memref<128xi32, #tpu.memory_space<vmem>>, vector<16xi32>,
    tpu.vector_store_idx %arg24[%get3A_165], %broadcast_in_dim3A_3 {add = true} : memref<10240xf32, #tpu.memory_space<vmem>>[vector<16xi32>], vector<16xf32>,
    %dma_wait3A_166 = arith.constant 0 : i32
    %dma_wait3A_167 = arith.constant 0 : i32
    %dma_wait3A_168 = tpu.memref_slice %arg2[%dma_wait3A_166, %dma_wait3A_167] : memref<10000x128xf32, #tpu.memory_space<hbm>> -> memref<10000x128xf32, #tpu.memory_space<hbm>>
    tpu.wait_indirect_dma semaphore(%arg21 : memref<!tpu.dma_semaphore, #tpu.memory_space<semaphore_mem>>) src(%dma_wait3A_168 : memref<10000x128xf32, #tpu.memory_space<hbm>>) dst(%arg14 : memref<128x128xf32, #tpu.memory_space<vmem>>)
    %dma_wait3A_169 = arith.constant 0 : i32
    %dma_wait3A_170 = arith.constant 0 : i32
    %dma_wait3A_171 = tpu.memref_slice %arg15[%dma_wait3A_169, %dma_wait3A_170] : memref<10240x128xf32, #tpu.memory_space<vmem_shared>> -> memref<10240x128xf32, #tpu.memory_space<vmem_shared>>
    tpu.wait_indirect_dma semaphore(%arg22 : memref<!tpu.dma_semaphore, #tpu.memory_space<semaphore_mem>>) src(%arg13 : memref<128x128xf32, #tpu.memory_space<vmem>>) dst(%dma_wait3A_171 : memref<10240x128xf32, #tpu.memory_space<vmem_shared>>)
    %add3A_172 = arith.constant 10112 : i32
    %add3A_173 = arith.addi %mul3A_5, %add3A_172 : i32
    %multiple_of3A_174 = tpu.assume_multiple %add3A_173, 8 : i32
    %dma_wait3A_175 = tpu.memref_slice %arg4[%multiple_of3A_174] : memref<327680xi32, #tpu.memory_space<hbm>> -> memref<128xi32, #tpu.memory_space<hbm>>
    %dma_wait3A_176 = tpu.memref_slice %arg4[%multiple_of3A_174] : memref<327680xi32, #tpu.memory_space<hbm>> -> memref<128xi32, #tpu.memory_space<hbm>>
    tpu.wait_dma2 semaphore(%arg19 : memref<!tpu.dma_semaphore, #tpu.memory_space<semaphore_mem>>) src(%dma_wait3A_176 : memref<128xi32, #tpu.memory_space<hbm>>) dst(%arg12 : memref<128xi32, #tpu.memory_space<vmem>>)
    %dma_start3A_177 = arith.constant 0 : i32
    %dma_start3A_178 = arith.constant 0 : i32
    %dma_start3A_179 = tpu.memref_slice %arg15[%dma_start3A_177, %dma_start3A_178] : memref<10240x128xf32, #tpu.memory_space<vmem_shared>> -> memref<10240x128xf32, #tpu.memory_space<vmem_shared>>
    tpu.enqueue_indirect_dma source(%arg14 : memref<128x128xf32, #tpu.memory_space<vmem>>) target(%dma_start3A_179 : memref<10240x128xf32, #tpu.memory_space<vmem_shared>>) offsets(%arg12 : memref<128xi32, #tpu.memory_space<vmem>>) semaphore(%arg23 : memref<!tpu.dma_semaphore, #tpu.memory_space<semaphore_mem>>) {add = true}
    %get3A_180 = arith.constant 0 : index
    %get3A_181 = tpu.vector_load %arg12[%get3A_180] {strides = array<i32>} : memref<128xi32, #tpu.memory_space<vmem>>, vector<16xi32>,
    tpu.vector_store_idx %arg24[%get3A_181], %broadcast_in_dim3A_3 {add = true} : memref<10240xf32, #tpu.memory_space<vmem>>[vector<16xi32>], vector<16xf32>,
    %get3A_182 = arith.constant 16 : index
    %get3A_183 = tpu.vector_load %arg12[%get3A_182] {strides = array<i32>} : memref<128xi32, #tpu.memory_space<vmem>>, vector<16xi32>,
    tpu.vector_store_idx %arg24[%get3A_183], %broadcast_in_dim3A_3 {add = true} : memref<10240xf32, #tpu.memory_space<vmem>>[vector<16xi32>], vector<16xf32>,
    %get3A_184 = arith.constant 32 : index
    %get3A_185 = tpu.vector_load %arg12[%get3A_184] {strides = array<i32>} : memref<128xi32, #tpu.memory_space<vmem>>, vector<16xi32>,
    tpu.vector_store_idx %arg24[%get3A_185], %broadcast_in_dim3A_3 {add = true} : memref<10240xf32, #tpu.memory_space<vmem>>[vector<16xi32>], vector<16xf32>,
    %get3A_186 = arith.constant 48 : index
    %get3A_187 = tpu.vector_load %arg12[%get3A_186] {strides = array<i32>} : memref<128xi32, #tpu.memory_space<vmem>>, vector<16xi32>,
    tpu.vector_store_idx %arg24[%get3A_187], %broadcast_in_dim3A_3 {add = true} : memref<10240xf32, #tpu.memory_space<vmem>>[vector<16xi32>], vector<16xf32>,
    %get3A_188 = arith.constant 64 : index
    %get3A_189 = tpu.vector_load %arg12[%get3A_188] {strides = array<i32>} : memref<128xi32, #tpu.memory_space<vmem>>, vector<16xi32>,
    tpu.vector_store_idx %arg24[%get3A_189], %broadcast_in_dim3A_3 {add = true} : memref<10240xf32, #tpu.memory_space<vmem>>[vector<16xi32>], vector<16xf32>,
    %get3A_190 = arith.constant 80 : index
    %get3A_191 = tpu.vector_load %arg12[%get3A_190] {strides = array<i32>} : memref<128xi32, #tpu.memory_space<vmem>>, vector<16xi32>,
    tpu.vector_store_idx %arg24[%get3A_191], %broadcast_in_dim3A_3 {add = true} : memref<10240xf32, #tpu.memory_space<vmem>>[vector<16xi32>], vector<16xf32>,
    %get3A_192 = arith.constant 96 : index
    %get3A_193 = tpu.vector_load %arg12[%get3A_192] {strides = array<i32>} : memref<128xi32, #tpu.memory_space<vmem>>, vector<16xi32>,
    tpu.vector_store_idx %arg24[%get3A_193], %broadcast_in_dim3A_3 {add = true} : memref<10240xf32, #tpu.memory_space<vmem>>[vector<16xi32>], vector<16xf32>,
    %get3A_194 = arith.constant 112 : index
    %get3A_195 = tpu.vector_load %arg12[%get3A_194] {strides = array<i32>} : memref<128xi32, #tpu.memory_space<vmem>>, vector<16xi32>,
    tpu.vector_store_idx %arg24[%get3A_195], %broadcast_in_dim3A_3 {add = true} : memref<10240xf32, #tpu.memory_space<vmem>>[vector<16xi32>], vector<16xf32>,
    %dma_wait3A_196 = arith.constant 0 : i32
    %dma_wait3A_197 = arith.constant 0 : i32
    %dma_wait3A_198 = tpu.memref_slice %arg15[%dma_wait3A_196, %dma_wait3A_197] : memref<10240x128xf32, #tpu.memory_space<vmem_shared>> -> memref<10240x128xf32, #tpu.memory_space<vmem_shared>>
    tpu.wait_indirect_dma semaphore(%arg23 : memref<!tpu.dma_semaphore, #tpu.memory_space<semaphore_mem>>) src(%arg14 : memref<128x128xf32, #tpu.memory_space<vmem>>) dst(%dma_wait3A_198 : memref<10240x128xf32, #tpu.memory_space<vmem_shared>>)
    %barrier3A_199 = arith.constant 0 : index
    tpu.barrier barrier_id(%barrier3A_199)
    %mul3A_200 = arith.constant 640 : i32
    %mul3A_201 = arith.muli %arg1, %mul3A_200 : i32
    "tpu.region"() ({
      %run_scoped3A = tpu.sem_alloc : memref<!tpu.dma_semaphore, #tpu.memory_space<semaphore_mem>>
      %dma_start3A_202 = arith.constant 0 : i32
      %dma_start3A_203 = tpu.memref_slice %arg7[%arg0, %mul3A_201, %dma_start3A_202] : memref<2x10240x128xf32, #tpu.memory_space<hbm>> -> memref<1x640x128xf32, #tpu.memory_space<hbm>>
      %dma_start3A_204 = tpu.memref_squeeze %dma_start3A_203 : memref<1x640x128xf32, #tpu.memory_space<hbm>> -> memref<640x128xf32, #tpu.memory_space<hbm>>
      %dma_start3A_205 = arith.constant 0 : i32
      %dma_start3A_206 = tpu.memref_slice %arg15[%mul3A_201, %dma_start3A_205] : memref<10240x128xf32, #tpu.memory_space<vmem_shared>> -> memref<640x128xf32, #tpu.memory_space<vmem_shared>>
      tpu.enqueue_dma source(%dma_start3A_206 : memref<640x128xf32, #tpu.memory_space<vmem_shared>>) target(%dma_start3A_204 : memref<640x128xf32, #tpu.memory_space<hbm>>) target_semaphore(%run_scoped3A : memref<!tpu.dma_semaphore, #tpu.memory_space<semaphore_mem>>)
      %dma_wait3A_207 = arith.constant 0 : i32
      %dma_wait3A_208 = tpu.memref_slice %arg7[%arg0, %mul3A_201, %dma_wait3A_207] : memref<2x10240x128xf32, #tpu.memory_space<hbm>> -> memref<1x640x128xf32, #tpu.memory_space<hbm>>
      %dma_wait3A_209 = tpu.memref_squeeze %dma_wait3A_208 : memref<1x640x128xf32, #tpu.memory_space<hbm>> -> memref<640x128xf32, #tpu.memory_space<hbm>>
      %dma_wait3A_210 = arith.constant 0 : i32
      %dma_wait3A_211 = tpu.memref_slice %arg15[%mul3A_201, %dma_wait3A_210] : memref<10240x128xf32, #tpu.memory_space<vmem_shared>> -> memref<640x128xf32, #tpu.memory_space<vmem_shared>>
      tpu.wait_dma2 semaphore(%run_scoped3A : memref<!tpu.dma_semaphore, #tpu.memory_space<semaphore_mem>>) src(%dma_wait3A_211 : memref<640x128xf32, #tpu.memory_space<vmem_shared>>) dst(%dma_wait3A_209 : memref<640x128xf32, #tpu.memory_space<hbm>>)
      tpu.yield
    }) : () -> ()
    "tpu.region"() ({
      %run_scoped3A = tpu.sem_alloc : memref<!tpu.dma_semaphore, #tpu.memory_space<semaphore_mem>>
      %dma_start3A_202 = arith.constant 0 : i32
      %dma_start3A_203 = tpu.memref_slice %arg8[%add3A, %dma_start3A_202] : memref<32x10240xf32, #tpu.memory_space<hbm>> -> memref<1x10240xf32, #tpu.memory_space<hbm>>
      %dma_start3A_204 = tpu.memref_squeeze %dma_start3A_203 : memref<1x10240xf32, #tpu.memory_space<hbm>> -> memref<10240xf32, #tpu.memory_space<hbm>>
      %dma_start3A_205 = arith.constant 0 : i32
      %dma_start3A_206 = tpu.memref_slice %arg8[%add3A, %dma_start3A_205] : memref<32x10240xf32, #tpu.memory_space<hbm>> -> memref<1x10240xf32, #tpu.memory_space<hbm>>
      %dma_start3A_207 = tpu.memref_squeeze %dma_start3A_206 : memref<1x10240xf32, #tpu.memory_space<hbm>> -> memref<10240xf32, #tpu.memory_space<hbm>>
      tpu.enqueue_dma source(%arg24 : memref<10240xf32, #tpu.memory_space<vmem>>) target(%dma_start3A_207 : memref<10240xf32, #tpu.memory_space<hbm>>) target_semaphore(%run_scoped3A : memref<!tpu.dma_semaphore, #tpu.memory_space<semaphore_mem>>)
      %dma_wait3A_208 = arith.constant 0 : i32
      %dma_wait3A_209 = tpu.memref_slice %arg8[%add3A, %dma_wait3A_208] : memref<32x10240xf32, #tpu.memory_space<hbm>> -> memref<1x10240xf32, #tpu.memory_space<hbm>>
      %dma_wait3A_210 = tpu.memref_squeeze %dma_wait3A_209 : memref<1x10240xf32, #tpu.memory_space<hbm>> -> memref<10240xf32, #tpu.memory_space<hbm>>
      %dma_wait3A_211 = arith.constant 0 : i32
      %dma_wait3A_212 = tpu.memref_slice %arg8[%add3A, %dma_wait3A_211] : memref<32x10240xf32, #tpu.memory_space<hbm>> -> memref<1x10240xf32, #tpu.memory_space<hbm>>
      %dma_wait3A_213 = tpu.memref_squeeze %dma_wait3A_212 : memref<1x10240xf32, #tpu.memory_space<hbm>> -> memref<10240xf32, #tpu.memory_space<hbm>>
      tpu.wait_dma2 semaphore(%run_scoped3A : memref<!tpu.dma_semaphore, #tpu.memory_space<semaphore_mem>>) src(%arg24 : memref<10240xf32, #tpu.memory_space<vmem>>) dst(%dma_wait3A_213 : memref<10240xf32, #tpu.memory_space<hbm>>)
      tpu.yield
    }) : () -> ()
    return
  }
}

#map = affine_map<(d0, d1) -> (0, 0)>
#map1 = affine_map<(d0, d1) -> (0)>
#map2 = affine_map<(d0, d1) -> (0, 0, 0)>
module attributes {stable_mosaic.version = 14 : i64} {
  func.func @body(%arg0: i32, %arg1: i32, %arg2: memref<10000x128xf32, #tpu.memory_space<hbm>>, %arg3: memref<327680xi32, #tpu.memory_space<hbm>>, %arg4: memref<327680xi32, #tpu.memory_space<hbm>>, %arg5: memref<640x128xf32, #tpu.memory_space<hbm>>, %arg6: memref<2x10240x128xf32, #tpu.memory_space<hbm>>, %arg7: memref<128xi32, #tpu.memory_space<vmem>>, %arg8: memref<128xi32, #tpu.memory_space<vmem>>, %arg9: memref<128xi32, #tpu.memory_space<vmem>>, %arg10: memref<128xi32, #tpu.memory_space<vmem>>, %arg11: memref<128x128xf32, #tpu.memory_space<vmem>>, %arg12: memref<128x128xf32, #tpu.memory_space<vmem>>, %arg13: memref<10240x128xf32, #tpu.memory_space<vmem_shared>>, %arg14: memref<!tpu.dma_semaphore, #tpu.memory_space<semaphore_mem>>, %arg15: memref<!tpu.dma_semaphore, #tpu.memory_space<semaphore_mem>>, %arg16: memref<!tpu.dma_semaphore, #tpu.memory_space<semaphore_mem>>, %arg17: memref<!tpu.dma_semaphore, #tpu.memory_space<semaphore_mem>>, %arg18: memref<!tpu.dma_semaphore, #tpu.memory_space<semaphore_mem>>, %arg19: memref<!tpu.dma_semaphore, #tpu.memory_space<semaphore_mem>>, %arg20: memref<!tpu.dma_semaphore, #tpu.memory_space<semaphore_mem>>, %arg21: memref<!tpu.dma_semaphore, #tpu.memory_space<semaphore_mem>>) attributes {dimension_semantics = [#tpu.dimension_semantics<core_parallel>, #tpu.dimension_semantics<subcore_parallel>], iteration_bounds = array<i64: 2, 16>, scalar_prefetch = 0 : i64, scratch_operands = 15 : i64, tpu.core_type = #tpu.core_type<sc_vector_subcore>, window_params = [{transform_indices = #map}, {transform_indices = #map1}, {transform_indices = #map1}, {transform_indices = #map}, {transform_indices = #map2}]} {
    %mul3A = arith.constant 16 : i32
    %mul3A_0 = arith.muli %arg0, %mul3A : i32
    %add3A = arith.addi %mul3A_0, %arg1 : i32
    %mul3A_1 = arith.constant 640 : i32
    %mul3A_2 = arith.muli %arg1, %mul3A_1 : i32
    "tpu.region"() ({
      %run_scoped3A = tpu.sem_alloc : memref<!tpu.dma_semaphore, #tpu.memory_space<semaphore_mem>>
      %dma_start3A_139 = arith.constant 0 : i32
      %dma_start3A_140 = tpu.memref_slice %arg13[%mul3A_2, %dma_start3A_139] : memref<10240x128xf32, #tpu.memory_space<vmem_shared>> -> memref<640x128xf32, #tpu.memory_space<vmem_shared>>
      tpu.enqueue_dma source(%arg5 : memref<640x128xf32, #tpu.memory_space<hbm>>) target(%dma_start3A_140 : memref<640x128xf32, #tpu.memory_space<vmem_shared>>) target_semaphore(%run_scoped3A : memref<!tpu.dma_semaphore, #tpu.memory_space<semaphore_mem>>)
      %dma_wait3A_141 = arith.constant 0 : i32
      %dma_wait3A_142 = tpu.memref_slice %arg13[%mul3A_2, %dma_wait3A_141] : memref<10240x128xf32, #tpu.memory_space<vmem_shared>> -> memref<640x128xf32, #tpu.memory_space<vmem_shared>>
      tpu.wait_dma2 semaphore(%run_scoped3A : memref<!tpu.dma_semaphore, #tpu.memory_space<semaphore_mem>>) src(%arg5 : memref<640x128xf32, #tpu.memory_space<hbm>>) dst(%dma_wait3A_142 : memref<640x128xf32, #tpu.memory_space<vmem_shared>>)
      tpu.yield
    }) : () -> ()
    %barrier3A = arith.constant 0 : index
    tpu.barrier barrier_id(%barrier3A)
    %broadcast_in_dim3A = arith.constant 1.000000e+00 : f32
    %broadcast_in_dim3A_3 = vector.broadcast %broadcast_in_dim3A : f32 to vector<16xf32>
    %mul3A_4 = arith.constant 10240 : i32
    %mul3A_5 = arith.muli %add3A, %mul3A_4 : i32
    %add3A_6 = arith.constant 0 : i32
    %add3A_7 = arith.addi %mul3A_5, %add3A_6 : i32
    %multiple_of3A = tpu.assume_multiple %add3A_7, 8 : i32
    %dma_start3A = tpu.memref_slice %arg3[%multiple_of3A] : memref<327680xi32, #tpu.memory_space<hbm>> -> memref<128xi32, #tpu.memory_space<hbm>>
    %dma_start3A_8 = tpu.memref_slice %arg3[%multiple_of3A] : memref<327680xi32, #tpu.memory_space<hbm>> -> memref<128xi32, #tpu.memory_space<hbm>>
    tpu.enqueue_dma source(%dma_start3A_8 : memref<128xi32, #tpu.memory_space<hbm>>) target(%arg7 : memref<128xi32, #tpu.memory_space<vmem>>) target_semaphore(%arg14 : memref<!tpu.dma_semaphore, #tpu.memory_space<semaphore_mem>>)
    %add3A_9 = arith.constant 0 : i32
    %add3A_10 = arith.addi %mul3A_5, %add3A_9 : i32
    %multiple_of3A_11 = tpu.assume_multiple %add3A_10, 8 : i32
    %dma_wait3A = tpu.memref_slice %arg3[%multiple_of3A_11] : memref<327680xi32, #tpu.memory_space<hbm>> -> memref<128xi32, #tpu.memory_space<hbm>>
    %dma_wait3A_12 = tpu.memref_slice %arg3[%multiple_of3A_11] : memref<327680xi32, #tpu.memory_space<hbm>> -> memref<128xi32, #tpu.memory_space<hbm>>
    tpu.wait_dma2 semaphore(%arg14 : memref<!tpu.dma_semaphore, #tpu.memory_space<semaphore_mem>>) src(%dma_wait3A_12 : memref<128xi32, #tpu.memory_space<hbm>>) dst(%arg7 : memref<128xi32, #tpu.memory_space<vmem>>)
    %dma_start3A_13 = arith.constant 0 : i32
    %dma_start3A_14 = arith.constant 0 : i32
    %dma_start3A_15 = tpu.memref_slice %arg2[%dma_start3A_13, %dma_start3A_14] : memref<10000x128xf32, #tpu.memory_space<hbm>> -> memref<10000x128xf32, #tpu.memory_space<hbm>>
    tpu.enqueue_indirect_dma source(%dma_start3A_15 : memref<10000x128xf32, #tpu.memory_space<hbm>>) target(%arg11 : memref<128x128xf32, #tpu.memory_space<vmem>>) offsets(%arg7 : memref<128xi32, #tpu.memory_space<vmem>>) semaphore(%arg18 : memref<!tpu.dma_semaphore, #tpu.memory_space<semaphore_mem>>)
    %add3A_16 = arith.constant 128 : i32
    %add3A_17 = arith.addi %mul3A_5, %add3A_16 : i32
    %multiple_of3A_18 = tpu.assume_multiple %add3A_17, 8 : i32
    %dma_start3A_19 = tpu.memref_slice %arg3[%multiple_of3A_18] : memref<327680xi32, #tpu.memory_space<hbm>> -> memref<128xi32, #tpu.memory_space<hbm>>
    %dma_start3A_20 = tpu.memref_slice %arg3[%multiple_of3A_18] : memref<327680xi32, #tpu.memory_space<hbm>> -> memref<128xi32, #tpu.memory_space<hbm>>
    tpu.enqueue_dma source(%dma_start3A_20 : memref<128xi32, #tpu.memory_space<hbm>>) target(%arg8 : memref<128xi32, #tpu.memory_space<vmem>>) target_semaphore(%arg15 : memref<!tpu.dma_semaphore, #tpu.memory_space<semaphore_mem>>)
    %add3A_21 = arith.constant 0 : i32
    %add3A_22 = arith.addi %mul3A_5, %add3A_21 : i32
    %multiple_of3A_23 = tpu.assume_multiple %add3A_22, 8 : i32
    %dma_start3A_24 = tpu.memref_slice %arg4[%multiple_of3A_23] : memref<327680xi32, #tpu.memory_space<hbm>> -> memref<128xi32, #tpu.memory_space<hbm>>
    %dma_start3A_25 = tpu.memref_slice %arg4[%multiple_of3A_23] : memref<327680xi32, #tpu.memory_space<hbm>> -> memref<128xi32, #tpu.memory_space<hbm>>
    tpu.enqueue_dma source(%dma_start3A_25 : memref<128xi32, #tpu.memory_space<hbm>>) target(%arg9 : memref<128xi32, #tpu.memory_space<vmem>>) target_semaphore(%arg16 : memref<!tpu.dma_semaphore, #tpu.memory_space<semaphore_mem>>)
    %dma_wait3A_26 = arith.constant 0 : i32
    %dma_wait3A_27 = arith.constant 0 : i32
    %dma_wait3A_28 = tpu.memref_slice %arg2[%dma_wait3A_26, %dma_wait3A_27] : memref<10000x128xf32, #tpu.memory_space<hbm>> -> memref<10000x128xf32, #tpu.memory_space<hbm>>
    tpu.wait_indirect_dma semaphore(%arg18 : memref<!tpu.dma_semaphore, #tpu.memory_space<semaphore_mem>>) src(%dma_wait3A_28 : memref<10000x128xf32, #tpu.memory_space<hbm>>) dst(%arg11 : memref<128x128xf32, #tpu.memory_space<vmem>>)
    %add3A_29 = arith.constant 256 : i32
    %add3A_30 = arith.addi %mul3A_5, %add3A_29 : i32
    %multiple_of3A_31 = tpu.assume_multiple %add3A_30, 8 : i32
    %dma_start3A_32 = tpu.memref_slice %arg3[%multiple_of3A_31] : memref<327680xi32, #tpu.memory_space<hbm>> -> memref<128xi32, #tpu.memory_space<hbm>>
    %dma_start3A_33 = tpu.memref_slice %arg3[%multiple_of3A_31] : memref<327680xi32, #tpu.memory_space<hbm>> -> memref<128xi32, #tpu.memory_space<hbm>>
    tpu.enqueue_dma source(%dma_start3A_33 : memref<128xi32, #tpu.memory_space<hbm>>) target(%arg7 : memref<128xi32, #tpu.memory_space<vmem>>) target_semaphore(%arg14 : memref<!tpu.dma_semaphore, #tpu.memory_space<semaphore_mem>>)
    %add3A_34 = arith.constant 128 : i32
    %add3A_35 = arith.addi %mul3A_5, %add3A_34 : i32
    %multiple_of3A_36 = tpu.assume_multiple %add3A_35, 8 : i32
    %dma_start3A_37 = tpu.memref_slice %arg4[%multiple_of3A_36] : memref<327680xi32, #tpu.memory_space<hbm>> -> memref<128xi32, #tpu.memory_space<hbm>>
    %dma_start3A_38 = tpu.memref_slice %arg4[%multiple_of3A_36] : memref<327680xi32, #tpu.memory_space<hbm>> -> memref<128xi32, #tpu.memory_space<hbm>>
    tpu.enqueue_dma source(%dma_start3A_38 : memref<128xi32, #tpu.memory_space<hbm>>) target(%arg10 : memref<128xi32, #tpu.memory_space<vmem>>) target_semaphore(%arg17 : memref<!tpu.dma_semaphore, #tpu.memory_space<semaphore_mem>>)
    %add3A_39 = arith.constant 128 : i32
    %add3A_40 = arith.addi %mul3A_5, %add3A_39 : i32
    %multiple_of3A_41 = tpu.assume_multiple %add3A_40, 8 : i32
    %dma_wait3A_42 = tpu.memref_slice %arg3[%multiple_of3A_41] : memref<327680xi32, #tpu.memory_space<hbm>> -> memref<128xi32, #tpu.memory_space<hbm>>
    %dma_wait3A_43 = tpu.memref_slice %arg3[%multiple_of3A_41] : memref<327680xi32, #tpu.memory_space<hbm>> -> memref<128xi32, #tpu.memory_space<hbm>>
    tpu.wait_dma2 semaphore(%arg15 : memref<!tpu.dma_semaphore, #tpu.memory_space<semaphore_mem>>) src(%dma_wait3A_43 : memref<128xi32, #tpu.memory_space<hbm>>) dst(%arg8 : memref<128xi32, #tpu.memory_space<vmem>>)
    %dma_start3A_44 = arith.constant 0 : i32
    %dma_start3A_45 = arith.constant 0 : i32
    %dma_start3A_46 = tpu.memref_slice %arg2[%dma_start3A_44, %dma_start3A_45] : memref<10000x128xf32, #tpu.memory_space<hbm>> -> memref<10000x128xf32, #tpu.memory_space<hbm>>
    tpu.enqueue_indirect_dma source(%dma_start3A_46 : memref<10000x128xf32, #tpu.memory_space<hbm>>) target(%arg12 : memref<128x128xf32, #tpu.memory_space<vmem>>) offsets(%arg8 : memref<128xi32, #tpu.memory_space<vmem>>) semaphore(%arg19 : memref<!tpu.dma_semaphore, #tpu.memory_space<semaphore_mem>>)
    %add3A_47 = arith.constant 0 : i32
    %add3A_48 = arith.addi %mul3A_5, %add3A_47 : i32
    %multiple_of3A_49 = tpu.assume_multiple %add3A_48, 8 : i32
    %dma_wait3A_50 = tpu.memref_slice %arg4[%multiple_of3A_49] : memref<327680xi32, #tpu.memory_space<hbm>> -> memref<128xi32, #tpu.memory_space<hbm>>
    %dma_wait3A_51 = tpu.memref_slice %arg4[%multiple_of3A_49] : memref<327680xi32, #tpu.memory_space<hbm>> -> memref<128xi32, #tpu.memory_space<hbm>>
    tpu.wait_dma2 semaphore(%arg16 : memref<!tpu.dma_semaphore, #tpu.memory_space<semaphore_mem>>) src(%dma_wait3A_51 : memref<128xi32, #tpu.memory_space<hbm>>) dst(%arg9 : memref<128xi32, #tpu.memory_space<vmem>>)
    %dma_start3A_52 = arith.constant 0 : i32
    %dma_start3A_53 = arith.constant 0 : i32
    %dma_start3A_54 = tpu.memref_slice %arg13[%dma_start3A_52, %dma_start3A_53] : memref<10240x128xf32, #tpu.memory_space<vmem_shared>> -> memref<10240x128xf32, #tpu.memory_space<vmem_shared>>
    tpu.enqueue_indirect_dma source(%arg11 : memref<128x128xf32, #tpu.memory_space<vmem>>) target(%dma_start3A_54 : memref<10240x128xf32, #tpu.memory_space<vmem_shared>>) offsets(%arg9 : memref<128xi32, #tpu.memory_space<vmem>>) semaphore(%arg20 : memref<!tpu.dma_semaphore, #tpu.memory_space<semaphore_mem>>) {add = true}
    %dma_wait3A_55 = arith.constant 0 : i32
    %dma_wait3A_56 = arith.constant 0 : i32
    %dma_wait3A_57 = tpu.memref_slice %arg2[%dma_wait3A_55, %dma_wait3A_56] : memref<10000x128xf32, #tpu.memory_space<hbm>> -> memref<10000x128xf32, #tpu.memory_space<hbm>>
    tpu.wait_indirect_dma semaphore(%arg19 : memref<!tpu.dma_semaphore, #tpu.memory_space<semaphore_mem>>) src(%dma_wait3A_57 : memref<10000x128xf32, #tpu.memory_space<hbm>>) dst(%arg12 : memref<128x128xf32, #tpu.memory_space<vmem>>)
    %dma_wait3A_58 = arith.constant 0 : i32
    %dma_wait3A_59 = arith.constant 0 : i32
    %dma_wait3A_60 = tpu.memref_slice %arg13[%dma_wait3A_58, %dma_wait3A_59] : memref<10240x128xf32, #tpu.memory_space<vmem_shared>> -> memref<10240x128xf32, #tpu.memory_space<vmem_shared>>
    tpu.wait_indirect_dma semaphore(%arg20 : memref<!tpu.dma_semaphore, #tpu.memory_space<semaphore_mem>>) src(%arg11 : memref<128x128xf32, #tpu.memory_space<vmem>>) dst(%dma_wait3A_60 : memref<10240x128xf32, #tpu.memory_space<vmem_shared>>)
    %add3A_61 = arith.constant 256 : i32
    %add3A_62 = arith.addi %mul3A_5, %add3A_61 : i32
    %multiple_of3A_63 = tpu.assume_multiple %add3A_62, 8 : i32
    %dma_start3A_64 = tpu.memref_slice %arg4[%multiple_of3A_63] : memref<327680xi32, #tpu.memory_space<hbm>> -> memref<128xi32, #tpu.memory_space<hbm>>
    %dma_start3A_65 = tpu.memref_slice %arg4[%multiple_of3A_63] : memref<327680xi32, #tpu.memory_space<hbm>> -> memref<128xi32, #tpu.memory_space<hbm>>
    tpu.enqueue_dma source(%dma_start3A_65 : memref<128xi32, #tpu.memory_space<hbm>>) target(%arg9 : memref<128xi32, #tpu.memory_space<vmem>>) target_semaphore(%arg16 : memref<!tpu.dma_semaphore, #tpu.memory_space<semaphore_mem>>)
    %add3A_66 = arith.constant 256 : i32
    %add3A_67 = arith.addi %mul3A_5, %add3A_66 : i32
    %multiple_of3A_68 = tpu.assume_multiple %add3A_67, 8 : i32
    %dma_wait3A_69 = tpu.memref_slice %arg3[%multiple_of3A_68] : memref<327680xi32, #tpu.memory_space<hbm>> -> memref<128xi32, #tpu.memory_space<hbm>>
    %dma_wait3A_70 = tpu.memref_slice %arg3[%multiple_of3A_68] : memref<327680xi32, #tpu.memory_space<hbm>> -> memref<128xi32, #tpu.memory_space<hbm>>
    tpu.wait_dma2 semaphore(%arg14 : memref<!tpu.dma_semaphore, #tpu.memory_space<semaphore_mem>>) src(%dma_wait3A_70 : memref<128xi32, #tpu.memory_space<hbm>>) dst(%arg7 : memref<128xi32, #tpu.memory_space<vmem>>)
    %dma_start3A_71 = arith.constant 0 : i32
    %dma_start3A_72 = arith.constant 0 : i32
    %dma_start3A_73 = tpu.memref_slice %arg2[%dma_start3A_71, %dma_start3A_72] : memref<10000x128xf32, #tpu.memory_space<hbm>> -> memref<10000x128xf32, #tpu.memory_space<hbm>>
    tpu.enqueue_indirect_dma source(%dma_start3A_73 : memref<10000x128xf32, #tpu.memory_space<hbm>>) target(%arg11 : memref<128x128xf32, #tpu.memory_space<vmem>>) offsets(%arg7 : memref<128xi32, #tpu.memory_space<vmem>>) semaphore(%arg18 : memref<!tpu.dma_semaphore, #tpu.memory_space<semaphore_mem>>)
    %add3A_74 = arith.constant 384 : i32
    %add3A_75 = arith.addi %mul3A_5, %add3A_74 : i32
    %multiple_of3A_76 = tpu.assume_multiple %add3A_75, 8 : i32
    %dma_start3A_77 = tpu.memref_slice %arg3[%multiple_of3A_76] : memref<327680xi32, #tpu.memory_space<hbm>> -> memref<128xi32, #tpu.memory_space<hbm>>
    %dma_start3A_78 = tpu.memref_slice %arg3[%multiple_of3A_76] : memref<327680xi32, #tpu.memory_space<hbm>> -> memref<128xi32, #tpu.memory_space<hbm>>
    tpu.enqueue_dma source(%dma_start3A_78 : memref<128xi32, #tpu.memory_space<hbm>>) target(%arg8 : memref<128xi32, #tpu.memory_space<vmem>>) target_semaphore(%arg15 : memref<!tpu.dma_semaphore, #tpu.memory_space<semaphore_mem>>)
    %add3A_79 = arith.constant 128 : i32
    %add3A_80 = arith.addi %mul3A_5, %add3A_79 : i32
    %multiple_of3A_81 = tpu.assume_multiple %add3A_80, 8 : i32
    %dma_wait3A_82 = tpu.memref_slice %arg4[%multiple_of3A_81] : memref<327680xi32, #tpu.memory_space<hbm>> -> memref<128xi32, #tpu.memory_space<hbm>>
    %dma_wait3A_83 = tpu.memref_slice %arg4[%multiple_of3A_81] : memref<327680xi32, #tpu.memory_space<hbm>> -> memref<128xi32, #tpu.memory_space<hbm>>
    tpu.wait_dma2 semaphore(%arg17 : memref<!tpu.dma_semaphore, #tpu.memory_space<semaphore_mem>>) src(%dma_wait3A_83 : memref<128xi32, #tpu.memory_space<hbm>>) dst(%arg10 : memref<128xi32, #tpu.memory_space<vmem>>)
    %dma_start3A_84 = arith.constant 0 : i32
    %dma_start3A_85 = arith.constant 0 : i32
    %dma_start3A_86 = tpu.memref_slice %arg13[%dma_start3A_84, %dma_start3A_85] : memref<10240x128xf32, #tpu.memory_space<vmem_shared>> -> memref<10240x128xf32, #tpu.memory_space<vmem_shared>>
    tpu.enqueue_indirect_dma source(%arg12 : memref<128x128xf32, #tpu.memory_space<vmem>>) target(%dma_start3A_86 : memref<10240x128xf32, #tpu.memory_space<vmem_shared>>) offsets(%arg10 : memref<128xi32, #tpu.memory_space<vmem>>) semaphore(%arg21 : memref<!tpu.dma_semaphore, #tpu.memory_space<semaphore_mem>>) {add = true}
    %scan3A = arith.constant 0 : i32
    %scan3A_87 = arith.constant 1 : i32
    %scan3A_88 = arith.constant 38 : i32
    %scan3A_89 = arith.addi %scan3A_87, %scan3A_88 : i32
    %scan3A_90 = arith.constant 1 : i32
    scf.for %scan3A_139 = %scan3A_87 to %scan3A_89 step %scan3A_90  : i32 {
      %mul3A_140 = arith.constant 2 : i32
      %mul3A_141 = arith.muli %mul3A_140, %scan3A_139 : i32
      %add3A_142 = arith.constant 1 : i32
      %add3A_143 = arith.addi %mul3A_141, %add3A_142 : i32
      %dma_wait3A_144 = arith.constant 0 : i32
      %dma_wait3A_145 = arith.constant 0 : i32
      %dma_wait3A_146 = tpu.memref_slice %arg2[%dma_wait3A_144, %dma_wait3A_145] : memref<10000x128xf32, #tpu.memory_space<hbm>> -> memref<10000x128xf32, #tpu.memory_space<hbm>>
      tpu.wait_indirect_dma semaphore(%arg18 : memref<!tpu.dma_semaphore, #tpu.memory_space<semaphore_mem>>) src(%dma_wait3A_146 : memref<10000x128xf32, #tpu.memory_space<hbm>>) dst(%arg11 : memref<128x128xf32, #tpu.memory_space<vmem>>)
      %add3A_147 = arith.constant 2 : i32
      %add3A_148 = arith.addi %mul3A_141, %add3A_147 : i32
      %mul3A_149 = arith.constant 128 : i32
      %mul3A_150 = arith.muli %add3A_148, %mul3A_149 : i32
      %add3A_151 = arith.addi %mul3A_5, %mul3A_150 : i32
      %multiple_of3A_152 = tpu.assume_multiple %add3A_151, 8 : i32
      %dma_start3A_153 = tpu.memref_slice %arg3[%multiple_of3A_152] : memref<327680xi32, #tpu.memory_space<hbm>> -> memref<128xi32, #tpu.memory_space<hbm>>
      %dma_start3A_154 = tpu.memref_slice %arg3[%multiple_of3A_152] : memref<327680xi32, #tpu.memory_space<hbm>> -> memref<128xi32, #tpu.memory_space<hbm>>
      tpu.enqueue_dma source(%dma_start3A_154 : memref<128xi32, #tpu.memory_space<hbm>>) target(%arg7 : memref<128xi32, #tpu.memory_space<vmem>>) target_semaphore(%arg14 : memref<!tpu.dma_semaphore, #tpu.memory_space<semaphore_mem>>)
      %dma_wait3A_155 = arith.constant 0 : i32
      %dma_wait3A_156 = arith.constant 0 : i32
      %dma_wait3A_157 = tpu.memref_slice %arg13[%dma_wait3A_155, %dma_wait3A_156] : memref<10240x128xf32, #tpu.memory_space<vmem_shared>> -> memref<10240x128xf32, #tpu.memory_space<vmem_shared>>
      tpu.wait_indirect_dma semaphore(%arg21 : memref<!tpu.dma_semaphore, #tpu.memory_space<semaphore_mem>>) src(%arg12 : memref<128x128xf32, #tpu.memory_space<vmem>>) dst(%dma_wait3A_157 : memref<10240x128xf32, #tpu.memory_space<vmem_shared>>)
      %mul3A_158 = arith.constant 128 : i32
      %mul3A_159 = arith.muli %add3A_143, %mul3A_158 : i32
      %add3A_160 = arith.addi %mul3A_5, %mul3A_159 : i32
      %multiple_of3A_161 = tpu.assume_multiple %add3A_160, 8 : i32
      %dma_start3A_162 = tpu.memref_slice %arg4[%multiple_of3A_161] : memref<327680xi32, #tpu.memory_space<hbm>> -> memref<128xi32, #tpu.memory_space<hbm>>
      %dma_start3A_163 = tpu.memref_slice %arg4[%multiple_of3A_161] : memref<327680xi32, #tpu.memory_space<hbm>> -> memref<128xi32, #tpu.memory_space<hbm>>
      tpu.enqueue_dma source(%dma_start3A_163 : memref<128xi32, #tpu.memory_space<hbm>>) target(%arg10 : memref<128xi32, #tpu.memory_space<vmem>>) target_semaphore(%arg17 : memref<!tpu.dma_semaphore, #tpu.memory_space<semaphore_mem>>)
      %mul3A_164 = arith.constant 128 : i32
      %mul3A_165 = arith.muli %add3A_143, %mul3A_164 : i32
      %add3A_166 = arith.addi %mul3A_5, %mul3A_165 : i32
      %multiple_of3A_167 = tpu.assume_multiple %add3A_166, 8 : i32
      %dma_wait3A_168 = tpu.memref_slice %arg3[%multiple_of3A_167] : memref<327680xi32, #tpu.memory_space<hbm>> -> memref<128xi32, #tpu.memory_space<hbm>>
      %dma_wait3A_169 = tpu.memref_slice %arg3[%multiple_of3A_167] : memref<327680xi32, #tpu.memory_space<hbm>> -> memref<128xi32, #tpu.memory_space<hbm>>
      tpu.wait_dma2 semaphore(%arg15 : memref<!tpu.dma_semaphore, #tpu.memory_space<semaphore_mem>>) src(%dma_wait3A_169 : memref<128xi32, #tpu.memory_space<hbm>>) dst(%arg8 : memref<128xi32, #tpu.memory_space<vmem>>)
      %dma_start3A_170 = arith.constant 0 : i32
      %dma_start3A_171 = arith.constant 0 : i32
      %dma_start3A_172 = tpu.memref_slice %arg2[%dma_start3A_170, %dma_start3A_171] : memref<10000x128xf32, #tpu.memory_space<hbm>> -> memref<10000x128xf32, #tpu.memory_space<hbm>>
      tpu.enqueue_indirect_dma source(%dma_start3A_172 : memref<10000x128xf32, #tpu.memory_space<hbm>>) target(%arg12 : memref<128x128xf32, #tpu.memory_space<vmem>>) offsets(%arg8 : memref<128xi32, #tpu.memory_space<vmem>>) semaphore(%arg19 : memref<!tpu.dma_semaphore, #tpu.memory_space<semaphore_mem>>)
      %mul3A_173 = arith.constant 128 : i32
      %mul3A_174 = arith.muli %mul3A_141, %mul3A_173 : i32
      %add3A_175 = arith.addi %mul3A_5, %mul3A_174 : i32
      %multiple_of3A_176 = tpu.assume_multiple %add3A_175, 8 : i32
      %dma_wait3A_177 = tpu.memref_slice %arg4[%multiple_of3A_176] : memref<327680xi32, #tpu.memory_space<hbm>> -> memref<128xi32, #tpu.memory_space<hbm>>
      %dma_wait3A_178 = tpu.memref_slice %arg4[%multiple_of3A_176] : memref<327680xi32, #tpu.memory_space<hbm>> -> memref<128xi32, #tpu.memory_space<hbm>>
      tpu.wait_dma2 semaphore(%arg16 : memref<!tpu.dma_semaphore, #tpu.memory_space<semaphore_mem>>) src(%dma_wait3A_178 : memref<128xi32, #tpu.memory_space<hbm>>) dst(%arg9 : memref<128xi32, #tpu.memory_space<vmem>>)
      %dma_start3A_179 = arith.constant 0 : i32
      %dma_start3A_180 = arith.constant 0 : i32
      %dma_start3A_181 = tpu.memref_slice %arg13[%dma_start3A_179, %dma_start3A_180] : memref<10240x128xf32, #tpu.memory_space<vmem_shared>> -> memref<10240x128xf32, #tpu.memory_space<vmem_shared>>
      tpu.enqueue_indirect_dma source(%arg11 : memref<128x128xf32, #tpu.memory_space<vmem>>) target(%dma_start3A_181 : memref<10240x128xf32, #tpu.memory_space<vmem_shared>>) offsets(%arg9 : memref<128xi32, #tpu.memory_space<vmem>>) semaphore(%arg20 : memref<!tpu.dma_semaphore, #tpu.memory_space<semaphore_mem>>) {add = true}
      %dma_wait3A_182 = arith.constant 0 : i32
      %dma_wait3A_183 = arith.constant 0 : i32
      %dma_wait3A_184 = tpu.memref_slice %arg2[%dma_wait3A_182, %dma_wait3A_183] : memref<10000x128xf32, #tpu.memory_space<hbm>> -> memref<10000x128xf32, #tpu.memory_space<hbm>>
      tpu.wait_indirect_dma semaphore(%arg19 : memref<!tpu.dma_semaphore, #tpu.memory_space<semaphore_mem>>) src(%dma_wait3A_184 : memref<10000x128xf32, #tpu.memory_space<hbm>>) dst(%arg12 : memref<128x128xf32, #tpu.memory_space<vmem>>)
      %dma_wait3A_185 = arith.constant 0 : i32
      %dma_wait3A_186 = arith.constant 0 : i32
      %dma_wait3A_187 = tpu.memref_slice %arg13[%dma_wait3A_185, %dma_wait3A_186] : memref<10240x128xf32, #tpu.memory_space<vmem_shared>> -> memref<10240x128xf32, #tpu.memory_space<vmem_shared>>
      tpu.wait_indirect_dma semaphore(%arg20 : memref<!tpu.dma_semaphore, #tpu.memory_space<semaphore_mem>>) src(%arg11 : memref<128x128xf32, #tpu.memory_space<vmem>>) dst(%dma_wait3A_187 : memref<10240x128xf32, #tpu.memory_space<vmem_shared>>)
      %add3A_188 = arith.constant 2 : i32
      %add3A_189 = arith.addi %mul3A_141, %add3A_188 : i32
      %mul3A_190 = arith.constant 128 : i32
      %mul3A_191 = arith.muli %add3A_189, %mul3A_190 : i32
      %add3A_192 = arith.addi %mul3A_5, %mul3A_191 : i32
      %multiple_of3A_193 = tpu.assume_multiple %add3A_192, 8 : i32
      %dma_start3A_194 = tpu.memref_slice %arg4[%multiple_of3A_193] : memref<327680xi32, #tpu.memory_space<hbm>> -> memref<128xi32, #tpu.memory_space<hbm>>
      %dma_start3A_195 = tpu.memref_slice %arg4[%multiple_of3A_193] : memref<327680xi32, #tpu.memory_space<hbm>> -> memref<128xi32, #tpu.memory_space<hbm>>
      tpu.enqueue_dma source(%dma_start3A_195 : memref<128xi32, #tpu.memory_space<hbm>>) target(%arg9 : memref<128xi32, #tpu.memory_space<vmem>>) target_semaphore(%arg16 : memref<!tpu.dma_semaphore, #tpu.memory_space<semaphore_mem>>)
      %add3A_196 = arith.constant 2 : i32
      %add3A_197 = arith.addi %mul3A_141, %add3A_196 : i32
      %mul3A_198 = arith.constant 128 : i32
      %mul3A_199 = arith.muli %add3A_197, %mul3A_198 : i32
      %add3A_200 = arith.addi %mul3A_5, %mul3A_199 : i32
      %multiple_of3A_201 = tpu.assume_multiple %add3A_200, 8 : i32
      %dma_wait3A_202 = tpu.memref_slice %arg3[%multiple_of3A_201] : memref<327680xi32, #tpu.memory_space<hbm>> -> memref<128xi32, #tpu.memory_space<hbm>>
      %dma_wait3A_203 = tpu.memref_slice %arg3[%multiple_of3A_201] : memref<327680xi32, #tpu.memory_space<hbm>> -> memref<128xi32, #tpu.memory_space<hbm>>
      tpu.wait_dma2 semaphore(%arg14 : memref<!tpu.dma_semaphore, #tpu.memory_space<semaphore_mem>>) src(%dma_wait3A_203 : memref<128xi32, #tpu.memory_space<hbm>>) dst(%arg7 : memref<128xi32, #tpu.memory_space<vmem>>)
      %dma_start3A_204 = arith.constant 0 : i32
      %dma_start3A_205 = arith.constant 0 : i32
      %dma_start3A_206 = tpu.memref_slice %arg2[%dma_start3A_204, %dma_start3A_205] : memref<10000x128xf32, #tpu.memory_space<hbm>> -> memref<10000x128xf32, #tpu.memory_space<hbm>>
      tpu.enqueue_indirect_dma source(%dma_start3A_206 : memref<10000x128xf32, #tpu.memory_space<hbm>>) target(%arg11 : memref<128x128xf32, #tpu.memory_space<vmem>>) offsets(%arg7 : memref<128xi32, #tpu.memory_space<vmem>>) semaphore(%arg18 : memref<!tpu.dma_semaphore, #tpu.memory_space<semaphore_mem>>)
      %add3A_207 = arith.constant 3 : i32
      %add3A_208 = arith.addi %mul3A_141, %add3A_207 : i32
      %mul3A_209 = arith.constant 128 : i32
      %mul3A_210 = arith.muli %add3A_208, %mul3A_209 : i32
      %add3A_211 = arith.addi %mul3A_5, %mul3A_210 : i32
      %multiple_of3A_212 = tpu.assume_multiple %add3A_211, 8 : i32
      %dma_start3A_213 = tpu.memref_slice %arg3[%multiple_of3A_212] : memref<327680xi32, #tpu.memory_space<hbm>> -> memref<128xi32, #tpu.memory_space<hbm>>
      %dma_start3A_214 = tpu.memref_slice %arg3[%multiple_of3A_212] : memref<327680xi32, #tpu.memory_space<hbm>> -> memref<128xi32, #tpu.memory_space<hbm>>
      tpu.enqueue_dma source(%dma_start3A_214 : memref<128xi32, #tpu.memory_space<hbm>>) target(%arg8 : memref<128xi32, #tpu.memory_space<vmem>>) target_semaphore(%arg15 : memref<!tpu.dma_semaphore, #tpu.memory_space<semaphore_mem>>)
      %mul3A_215 = arith.constant 128 : i32
      %mul3A_216 = arith.muli %add3A_143, %mul3A_215 : i32
      %add3A_217 = arith.addi %mul3A_5, %mul3A_216 : i32
      %multiple_of3A_218 = tpu.assume_multiple %add3A_217, 8 : i32
      %dma_wait3A_219 = tpu.memref_slice %arg4[%multiple_of3A_218] : memref<327680xi32, #tpu.memory_space<hbm>> -> memref<128xi32, #tpu.memory_space<hbm>>
      %dma_wait3A_220 = tpu.memref_slice %arg4[%multiple_of3A_218] : memref<327680xi32, #tpu.memory_space<hbm>> -> memref<128xi32, #tpu.memory_space<hbm>>
      tpu.wait_dma2 semaphore(%arg17 : memref<!tpu.dma_semaphore, #tpu.memory_space<semaphore_mem>>) src(%dma_wait3A_220 : memref<128xi32, #tpu.memory_space<hbm>>) dst(%arg10 : memref<128xi32, #tpu.memory_space<vmem>>)
      %dma_start3A_221 = arith.constant 0 : i32
      %dma_start3A_222 = arith.constant 0 : i32
      %dma_start3A_223 = tpu.memref_slice %arg13[%dma_start3A_221, %dma_start3A_222] : memref<10240x128xf32, #tpu.memory_space<vmem_shared>> -> memref<10240x128xf32, #tpu.memory_space<vmem_shared>>
      tpu.enqueue_indirect_dma source(%arg12 : memref<128x128xf32, #tpu.memory_space<vmem>>) target(%dma_start3A_223 : memref<10240x128xf32, #tpu.memory_space<vmem_shared>>) offsets(%arg10 : memref<128xi32, #tpu.memory_space<vmem>>) semaphore(%arg21 : memref<!tpu.dma_semaphore, #tpu.memory_space<semaphore_mem>>) {add = true}
    }
    %scan3A_91 = arith.constant 38 : i32
    %dma_wait3A_92 = arith.constant 0 : i32
    %dma_wait3A_93 = arith.constant 0 : i32
    %dma_wait3A_94 = tpu.memref_slice %arg2[%dma_wait3A_92, %dma_wait3A_93] : memref<10000x128xf32, #tpu.memory_space<hbm>> -> memref<10000x128xf32, #tpu.memory_space<hbm>>
    tpu.wait_indirect_dma semaphore(%arg18 : memref<!tpu.dma_semaphore, #tpu.memory_space<semaphore_mem>>) src(%dma_wait3A_94 : memref<10000x128xf32, #tpu.memory_space<hbm>>) dst(%arg11 : memref<128x128xf32, #tpu.memory_space<vmem>>)
    %dma_wait3A_95 = arith.constant 0 : i32
    %dma_wait3A_96 = arith.constant 0 : i32
    %dma_wait3A_97 = tpu.memref_slice %arg13[%dma_wait3A_95, %dma_wait3A_96] : memref<10240x128xf32, #tpu.memory_space<vmem_shared>> -> memref<10240x128xf32, #tpu.memory_space<vmem_shared>>
    tpu.wait_indirect_dma semaphore(%arg21 : memref<!tpu.dma_semaphore, #tpu.memory_space<semaphore_mem>>) src(%arg12 : memref<128x128xf32, #tpu.memory_space<vmem>>) dst(%dma_wait3A_97 : memref<10240x128xf32, #tpu.memory_space<vmem_shared>>)
    %add3A_98 = arith.constant 10112 : i32
    %add3A_99 = arith.addi %mul3A_5, %add3A_98 : i32
    %multiple_of3A_100 = tpu.assume_multiple %add3A_99, 8 : i32
    %dma_start3A_101 = tpu.memref_slice %arg4[%multiple_of3A_100] : memref<327680xi32, #tpu.memory_space<hbm>> -> memref<128xi32, #tpu.memory_space<hbm>>
    %dma_start3A_102 = tpu.memref_slice %arg4[%multiple_of3A_100] : memref<327680xi32, #tpu.memory_space<hbm>> -> memref<128xi32, #tpu.memory_space<hbm>>
    tpu.enqueue_dma source(%dma_start3A_102 : memref<128xi32, #tpu.memory_space<hbm>>) target(%arg10 : memref<128xi32, #tpu.memory_space<vmem>>) target_semaphore(%arg17 : memref<!tpu.dma_semaphore, #tpu.memory_space<semaphore_mem>>)
    %add3A_103 = arith.constant 10112 : i32
    %add3A_104 = arith.addi %mul3A_5, %add3A_103 : i32
    %multiple_of3A_105 = tpu.assume_multiple %add3A_104, 8 : i32
    %dma_wait3A_106 = tpu.memref_slice %arg3[%multiple_of3A_105] : memref<327680xi32, #tpu.memory_space<hbm>> -> memref<128xi32, #tpu.memory_space<hbm>>
    %dma_wait3A_107 = tpu.memref_slice %arg3[%multiple_of3A_105] : memref<327680xi32, #tpu.memory_space<hbm>> -> memref<128xi32, #tpu.memory_space<hbm>>
    tpu.wait_dma2 semaphore(%arg15 : memref<!tpu.dma_semaphore, #tpu.memory_space<semaphore_mem>>) src(%dma_wait3A_107 : memref<128xi32, #tpu.memory_space<hbm>>) dst(%arg8 : memref<128xi32, #tpu.memory_space<vmem>>)
    %dma_start3A_108 = arith.constant 0 : i32
    %dma_start3A_109 = arith.constant 0 : i32
    %dma_start3A_110 = tpu.memref_slice %arg2[%dma_start3A_108, %dma_start3A_109] : memref<10000x128xf32, #tpu.memory_space<hbm>> -> memref<10000x128xf32, #tpu.memory_space<hbm>>
    tpu.enqueue_indirect_dma source(%dma_start3A_110 : memref<10000x128xf32, #tpu.memory_space<hbm>>) target(%arg12 : memref<128x128xf32, #tpu.memory_space<vmem>>) offsets(%arg8 : memref<128xi32, #tpu.memory_space<vmem>>) semaphore(%arg19 : memref<!tpu.dma_semaphore, #tpu.memory_space<semaphore_mem>>)
    %add3A_111 = arith.constant 9984 : i32
    %add3A_112 = arith.addi %mul3A_5, %add3A_111 : i32
    %multiple_of3A_113 = tpu.assume_multiple %add3A_112, 8 : i32
    %dma_wait3A_114 = tpu.memref_slice %arg4[%multiple_of3A_113] : memref<327680xi32, #tpu.memory_space<hbm>> -> memref<128xi32, #tpu.memory_space<hbm>>
    %dma_wait3A_115 = tpu.memref_slice %arg4[%multiple_of3A_113] : memref<327680xi32, #tpu.memory_space<hbm>> -> memref<128xi32, #tpu.memory_space<hbm>>
    tpu.wait_dma2 semaphore(%arg16 : memref<!tpu.dma_semaphore, #tpu.memory_space<semaphore_mem>>) src(%dma_wait3A_115 : memref<128xi32, #tpu.memory_space<hbm>>) dst(%arg9 : memref<128xi32, #tpu.memory_space<vmem>>)
    %dma_start3A_116 = arith.constant 0 : i32
    %dma_start3A_117 = arith.constant 0 : i32
    %dma_start3A_118 = tpu.memref_slice %arg13[%dma_start3A_116, %dma_start3A_117] : memref<10240x128xf32, #tpu.memory_space<vmem_shared>> -> memref<10240x128xf32, #tpu.memory_space<vmem_shared>>
    tpu.enqueue_indirect_dma source(%arg11 : memref<128x128xf32, #tpu.memory_space<vmem>>) target(%dma_start3A_118 : memref<10240x128xf32, #tpu.memory_space<vmem_shared>>) offsets(%arg9 : memref<128xi32, #tpu.memory_space<vmem>>) semaphore(%arg20 : memref<!tpu.dma_semaphore, #tpu.memory_space<semaphore_mem>>) {add = true}
    %dma_wait3A_119 = arith.constant 0 : i32
    %dma_wait3A_120 = arith.constant 0 : i32
    %dma_wait3A_121 = tpu.memref_slice %arg2[%dma_wait3A_119, %dma_wait3A_120] : memref<10000x128xf32, #tpu.memory_space<hbm>> -> memref<10000x128xf32, #tpu.memory_space<hbm>>
    tpu.wait_indirect_dma semaphore(%arg19 : memref<!tpu.dma_semaphore, #tpu.memory_space<semaphore_mem>>) src(%dma_wait3A_121 : memref<10000x128xf32, #tpu.memory_space<hbm>>) dst(%arg12 : memref<128x128xf32, #tpu.memory_space<vmem>>)
    %dma_wait3A_122 = arith.constant 0 : i32
    %dma_wait3A_123 = arith.constant 0 : i32
    %dma_wait3A_124 = tpu.memref_slice %arg13[%dma_wait3A_122, %dma_wait3A_123] : memref<10240x128xf32, #tpu.memory_space<vmem_shared>> -> memref<10240x128xf32, #tpu.memory_space<vmem_shared>>
    tpu.wait_indirect_dma semaphore(%arg20 : memref<!tpu.dma_semaphore, #tpu.memory_space<semaphore_mem>>) src(%arg11 : memref<128x128xf32, #tpu.memory_space<vmem>>) dst(%dma_wait3A_124 : memref<10240x128xf32, #tpu.memory_space<vmem_shared>>)
    %add3A_125 = arith.constant 10112 : i32
    %add3A_126 = arith.addi %mul3A_5, %add3A_125 : i32
    %multiple_of3A_127 = tpu.assume_multiple %add3A_126, 8 : i32
    %dma_wait3A_128 = tpu.memref_slice %arg4[%multiple_of3A_127] : memref<327680xi32, #tpu.memory_space<hbm>> -> memref<128xi32, #tpu.memory_space<hbm>>
    %dma_wait3A_129 = tpu.memref_slice %arg4[%multiple_of3A_127] : memref<327680xi32, #tpu.memory_space<hbm>> -> memref<128xi32, #tpu.memory_space<hbm>>
    tpu.wait_dma2 semaphore(%arg17 : memref<!tpu.dma_semaphore, #tpu.memory_space<semaphore_mem>>) src(%dma_wait3A_129 : memref<128xi32, #tpu.memory_space<hbm>>) dst(%arg10 : memref<128xi32, #tpu.memory_space<vmem>>)
    %dma_start3A_130 = arith.constant 0 : i32
    %dma_start3A_131 = arith.constant 0 : i32
    %dma_start3A_132 = tpu.memref_slice %arg13[%dma_start3A_130, %dma_start3A_131] : memref<10240x128xf32, #tpu.memory_space<vmem_shared>> -> memref<10240x128xf32, #tpu.memory_space<vmem_shared>>
    tpu.enqueue_indirect_dma source(%arg12 : memref<128x128xf32, #tpu.memory_space<vmem>>) target(%dma_start3A_132 : memref<10240x128xf32, #tpu.memory_space<vmem_shared>>) offsets(%arg10 : memref<128xi32, #tpu.memory_space<vmem>>) semaphore(%arg21 : memref<!tpu.dma_semaphore, #tpu.memory_space<semaphore_mem>>) {add = true}
    %dma_wait3A_133 = arith.constant 0 : i32
    %dma_wait3A_134 = arith.constant 0 : i32
    %dma_wait3A_135 = tpu.memref_slice %arg13[%dma_wait3A_133, %dma_wait3A_134] : memref<10240x128xf32, #tpu.memory_space<vmem_shared>> -> memref<10240x128xf32, #tpu.memory_space<vmem_shared>>
    tpu.wait_indirect_dma semaphore(%arg21 : memref<!tpu.dma_semaphore, #tpu.memory_space<semaphore_mem>>) src(%arg12 : memref<128x128xf32, #tpu.memory_space<vmem>>) dst(%dma_wait3A_135 : memref<10240x128xf32, #tpu.memory_space<vmem_shared>>)
    %barrier3A_136 = arith.constant 0 : index
    tpu.barrier barrier_id(%barrier3A_136)
    %mul3A_137 = arith.constant 640 : i32
    %mul3A_138 = arith.muli %arg1, %mul3A_137 : i32
    "tpu.region"() ({
      %run_scoped3A = tpu.sem_alloc : memref<!tpu.dma_semaphore, #tpu.memory_space<semaphore_mem>>
      %dma_start3A_139 = arith.constant 0 : i32
      %dma_start3A_140 = tpu.memref_slice %arg6[%arg0, %mul3A_138, %dma_start3A_139] : memref<2x10240x128xf32, #tpu.memory_space<hbm>> -> memref<1x640x128xf32, #tpu.memory_space<hbm>>
      %dma_start3A_141 = tpu.memref_squeeze %dma_start3A_140 : memref<1x640x128xf32, #tpu.memory_space<hbm>> -> memref<640x128xf32, #tpu.memory_space<hbm>>
      %dma_start3A_142 = arith.constant 0 : i32
      %dma_start3A_143 = tpu.memref_slice %arg13[%mul3A_138, %dma_start3A_142] : memref<10240x128xf32, #tpu.memory_space<vmem_shared>> -> memref<640x128xf32, #tpu.memory_space<vmem_shared>>
      tpu.enqueue_dma source(%dma_start3A_143 : memref<640x128xf32, #tpu.memory_space<vmem_shared>>) target(%dma_start3A_141 : memref<640x128xf32, #tpu.memory_space<hbm>>) target_semaphore(%run_scoped3A : memref<!tpu.dma_semaphore, #tpu.memory_space<semaphore_mem>>)
      %dma_wait3A_144 = arith.constant 0 : i32
      %dma_wait3A_145 = tpu.memref_slice %arg6[%arg0, %mul3A_138, %dma_wait3A_144] : memref<2x10240x128xf32, #tpu.memory_space<hbm>> -> memref<1x640x128xf32, #tpu.memory_space<hbm>>
      %dma_wait3A_146 = tpu.memref_squeeze %dma_wait3A_145 : memref<1x640x128xf32, #tpu.memory_space<hbm>> -> memref<640x128xf32, #tpu.memory_space<hbm>>
      %dma_wait3A_147 = arith.constant 0 : i32
      %dma_wait3A_148 = tpu.memref_slice %arg13[%mul3A_138, %dma_wait3A_147] : memref<10240x128xf32, #tpu.memory_space<vmem_shared>> -> memref<640x128xf32, #tpu.memory_space<vmem_shared>>
      tpu.wait_dma2 semaphore(%run_scoped3A : memref<!tpu.dma_semaphore, #tpu.memory_space<semaphore_mem>>) src(%dma_wait3A_148 : memref<640x128xf32, #tpu.memory_space<vmem_shared>>) dst(%dma_wait3A_146 : memref<640x128xf32, #tpu.memory_space<hbm>>)
      tpu.yield
    }) : () -> ()
    return
  }
}

module attributes {stable_mosaic.version = 14 : i64} {
  func.func @_tc_body(%arg0: i32, %arg1: memref<2x1024x128xf32, #tpu.memory_space<vmem>>, %arg2: memref<32x1024xf32, #tpu.memory_space<vmem>>, %arg3: memref<1024x128xf32, #tpu.memory_space<vmem>>, %arg4: memref<128x128xf32, #tpu.memory_space<vmem>>, %arg5: memref<1x128xf32, #tpu.memory_space<vmem>>, %arg6: memref<128x128xf32, #tpu.memory_space<vmem>>, %arg7: memref<1024x128xf32, #tpu.memory_space<vmem>>) attributes {dimension_semantics = [#tpu.dimension_semantics<arbitrary>], iteration_bounds = array<i64: 10>, scalar_prefetch = 0 : i64, scratch_operands = 0 : i64, tpu.core_type = #tpu.core_type<tc>, window_params = [{transform_indices = @transform_0, window_bounds = array<i64: 2, 1024, 128>}, {transform_indices = @transform_1, window_bounds = array<i64: 32, 1024>}, {transform_indices = @transform_2, window_bounds = array<i64: 1024, 128>}, {pipeline_mode = #tpu.pipeline_mode<synchronous>, transform_indices = @transform_3, window_bounds = array<i64: 128, 128>}, {pipeline_mode = #tpu.pipeline_mode<synchronous>, transform_indices = @transform_4, window_bounds = array<i64: 1, 128>}, {pipeline_mode = #tpu.pipeline_mode<synchronous>, transform_indices = @transform_5, window_bounds = array<i64: 128, 128>}, {transform_indices = @transform_6, window_bounds = array<i64: 1024, 128>}]} {
    %get3A = arith.constant 0 : index
    %get3A_0 = arith.constant 0 : index
    %get3A_1 = arith.constant 0 : index
    %get3A_2 = vector.load %arg1[%get3A, %get3A_0, %get3A_1] : memref<2x1024x128xf32, #tpu.memory_space<vmem>>, vector<1x1024x128xf32>
    %get3A_3 = vector.shape_cast %get3A_2 : vector<1x1024x128xf32> to vector<1024x128xf32>
    %get3A_4 = arith.constant 1 : index
    %get3A_5 = arith.constant 0 : index
    %get3A_6 = arith.constant 0 : index
    %get3A_7 = vector.load %arg1[%get3A_4, %get3A_5, %get3A_6] : memref<2x1024x128xf32, #tpu.memory_space<vmem>>, vector<1x1024x128xf32>
    %get3A_8 = vector.shape_cast %get3A_7 : vector<1x1024x128xf32> to vector<1024x128xf32>
    %add3A = arith.addf %get3A_3, %get3A_8 : vector<1024x128xf32>
    %get3A_9 = arith.constant 0 : index
    %get3A_10 = arith.constant 0 : index
    %get3A_11 = vector.load %arg2[%get3A_9, %get3A_10] : memref<32x1024xf32, #tpu.memory_space<vmem>>, vector<32x1024xf32>
    %broadcast_in_dim3A = arith.constant 1.000000e+00 : f32
    %broadcast_in_dim3A_12 = vector.broadcast %broadcast_in_dim3A : f32 to vector<32x128xf32>
    %dot_general3A = arith.constant dense<0.000000e+00> : vector<1024x128xf32>
    %dot_general3A_13 = tpu.matmul %get3A_11, %broadcast_in_dim3A_12, %dot_general3A {dimension_numbers = #tpu.dot_dimension_numbers<[0], [0], [1], [1], [0, 1, 1, 1], [], []>, transpose_lhs_hint = false} : vector<32x1024xf32>, vector<32x128xf32>, vector<1024x128xf32> -> vector<1024x128xf32>
    %max3A = arith.constant 1.000000e+00 : f32
    %max3A_14 = vector.broadcast %max3A : f32 to vector<1024x128xf32>
    %max3A_15 = arith.maximumf %dot_general3A_13, %max3A_14 : vector<1024x128xf32>
    %div3A = arith.divf %add3A, %max3A_15 : vector<1024x128xf32>
    %get3A_16 = arith.constant 0 : index
    %get3A_17 = arith.constant 0 : index
    %get3A_18 = vector.load %arg4[%get3A_16, %get3A_17] : memref<128x128xf32, #tpu.memory_space<vmem>>, vector<128x128xf32>
    %dot_general3A_19 = arith.constant dense<0.000000e+00> : vector<1024x128xf32>
    %dot_general3A_20 = tpu.matmul %div3A, %get3A_18, %dot_general3A_19 {dimension_numbers = #tpu.dot_dimension_numbers<[1], [0], [0], [1], [0, 0, 1, 1], [], []>, transpose_lhs_hint = false} : vector<1024x128xf32>, vector<128x128xf32>, vector<1024x128xf32> -> vector<1024x128xf32>
    %get3A_21 = arith.constant 0 : index
    %get3A_22 = arith.constant 0 : index
    %get3A_23 = vector.load %arg5[%get3A_21, %get3A_22] : memref<1x128xf32, #tpu.memory_space<vmem>>, vector<1x128xf32>
    %add3A_24 = vector.broadcast %get3A_23 : vector<1x128xf32> to vector<1024x128xf32>
    %add3A_25 = arith.addf %dot_general3A_20, %add3A_24 : vector<1024x128xf32>
    %get3A_26 = arith.constant 0 : index
    %get3A_27 = arith.constant 0 : index
    %get3A_28 = vector.load %arg3[%get3A_26, %get3A_27] : memref<1024x128xf32, #tpu.memory_space<vmem>>, vector<1024x128xf32>
    %get3A_29 = arith.constant 0 : index
    %get3A_30 = arith.constant 0 : index
    %get3A_31 = vector.load %arg6[%get3A_29, %get3A_30] : memref<128x128xf32, #tpu.memory_space<vmem>>, vector<128x128xf32>
    %dot_general3A_32 = arith.constant dense<0.000000e+00> : vector<1024x128xf32>
    %dot_general3A_33 = tpu.matmul %get3A_28, %get3A_31, %dot_general3A_32 {dimension_numbers = #tpu.dot_dimension_numbers<[1], [0], [0], [1], [0, 0, 1, 1], [], []>, transpose_lhs_hint = false} : vector<1024x128xf32>, vector<128x128xf32>, vector<1024x128xf32> -> vector<1024x128xf32>
    %add3A_34 = arith.addf %add3A_25, %dot_general3A_33 : vector<1024x128xf32>
    %max3A_35 = arith.constant 0.000000e+00 : f32
    %max3A_36 = vector.broadcast %max3A_35 : f32 to vector<1024x128xf32>
    %max3A_37 = arith.maximumf %add3A_34, %max3A_36 : vector<1024x128xf32>
    %swap3A = arith.constant 0 : index
    %swap3A_38 = arith.constant 0 : index
    %swap3A_39 = vector.load %arg7[%swap3A, %swap3A_38] : memref<1024x128xf32, #tpu.memory_space<vmem>>, vector<1024x128xf32>
    tpu.vector_store %arg7[%swap3A, %swap3A_38], %max3A_37 {strides = array<i32>} : memref<1024x128xf32, #tpu.memory_space<vmem>>, vector<1024x128xf32>,
    return
  }
  func.func @transform_0(%arg0: i32) -> (i32, i32, i32) {
    %c0_i32 = arith.constant 0 : i32
    %c0_i32_0 = arith.constant 0 : i32
    %c0_i32_1 = arith.constant 0 : i32
    return %c0_i32, %arg0, %c0_i32_0 : i32, i32, i32
  }
  func.func @transform_1(%arg0: i32) -> (i32, i32) {
    %c0_i32 = arith.constant 0 : i32
    %c0_i32_0 = arith.constant 0 : i32
    return %c0_i32, %arg0 : i32, i32
  }
  func.func @transform_2(%arg0: i32) -> (i32, i32) {
    %c0_i32 = arith.constant 0 : i32
    %c0_i32_0 = arith.constant 0 : i32
    return %arg0, %c0_i32 : i32, i32
  }
  func.func @transform_3(%arg0: i32) -> (i32, i32) {
    %c0_i32 = arith.constant 0 : i32
    %c0_i32_0 = arith.constant 0 : i32
    %c0_i32_1 = arith.constant 0 : i32
    return %c0_i32, %c0_i32_0 : i32, i32
  }
  func.func @transform_4(%arg0: i32) -> (i32, i32) {
    %c0_i32 = arith.constant 0 : i32
    %c0_i32_0 = arith.constant 0 : i32
    %c0_i32_1 = arith.constant 0 : i32
    return %c0_i32, %c0_i32_0 : i32, i32
  }
  func.func @transform_5(%arg0: i32) -> (i32, i32) {
    %c0_i32 = arith.constant 0 : i32
    %c0_i32_0 = arith.constant 0 : i32
    %c0_i32_1 = arith.constant 0 : i32
    return %c0_i32, %c0_i32_0 : i32, i32
  }
  func.func @transform_6(%arg0: i32) -> (i32, i32) {
    %c0_i32 = arith.constant 0 : i32
    %c0_i32_0 = arith.constant 0 : i32
    return %arg0, %c0_i32 : i32, i32
  }
}

module attributes {stable_mosaic.version = 14 : i64} {
  func.func @_tc_body(%arg0: i32, %arg1: memref<2x1024x128xf32, #tpu.memory_space<vmem>>, %arg2: memref<32x1024xf32, #tpu.memory_space<vmem>>, %arg3: memref<1024x128xf32, #tpu.memory_space<vmem>>, %arg4: memref<128x128xf32, #tpu.memory_space<vmem>>, %arg5: memref<1x128xf32, #tpu.memory_space<vmem>>, %arg6: memref<128x128xf32, #tpu.memory_space<vmem>>, %arg7: memref<1024x128xf32, #tpu.memory_space<vmem>>) attributes {dimension_semantics = [#tpu.dimension_semantics<arbitrary>], iteration_bounds = array<i64: 10>, scalar_prefetch = 0 : i64, scratch_operands = 0 : i64, tpu.core_type = #tpu.core_type<tc>, window_params = [{transform_indices = @transform_0, window_bounds = array<i64: 2, 1024, 128>}, {transform_indices = @transform_1, window_bounds = array<i64: 32, 1024>}, {transform_indices = @transform_2, window_bounds = array<i64: 1024, 128>}, {pipeline_mode = #tpu.pipeline_mode<synchronous>, transform_indices = @transform_3, window_bounds = array<i64: 128, 128>}, {pipeline_mode = #tpu.pipeline_mode<synchronous>, transform_indices = @transform_4, window_bounds = array<i64: 1, 128>}, {pipeline_mode = #tpu.pipeline_mode<synchronous>, transform_indices = @transform_5, window_bounds = array<i64: 128, 128>}, {transform_indices = @transform_6, window_bounds = array<i64: 1024, 128>}]} {
    %get3A = arith.constant 0 : index
    %get3A_0 = arith.constant 0 : index
    %get3A_1 = arith.constant 0 : index
    %get3A_2 = vector.load %arg1[%get3A, %get3A_0, %get3A_1] : memref<2x1024x128xf32, #tpu.memory_space<vmem>>, vector<1x1024x128xf32>
    %get3A_3 = vector.shape_cast %get3A_2 : vector<1x1024x128xf32> to vector<1024x128xf32>
    %get3A_4 = arith.constant 1 : index
    %get3A_5 = arith.constant 0 : index
    %get3A_6 = arith.constant 0 : index
    %get3A_7 = vector.load %arg1[%get3A_4, %get3A_5, %get3A_6] : memref<2x1024x128xf32, #tpu.memory_space<vmem>>, vector<1x1024x128xf32>
    %get3A_8 = vector.shape_cast %get3A_7 : vector<1x1024x128xf32> to vector<1024x128xf32>
    %add3A = arith.addf %get3A_3, %get3A_8 : vector<1024x128xf32>
    %get3A_9 = arith.constant 0 : index
    %get3A_10 = arith.constant 0 : index
    %get3A_11 = vector.load %arg2[%get3A_9, %get3A_10] : memref<32x1024xf32, #tpu.memory_space<vmem>>, vector<32x1024xf32>
    %broadcast_in_dim3A = arith.constant 1.000000e+00 : f32
    %broadcast_in_dim3A_12 = vector.broadcast %broadcast_in_dim3A : f32 to vector<32x128xf32>
    %dot_general3A = arith.constant dense<0.000000e+00> : vector<1024x128xf32>
    %dot_general3A_13 = tpu.matmul %get3A_11, %broadcast_in_dim3A_12, %dot_general3A {dimension_numbers = #tpu.dot_dimension_numbers<[0], [0], [1], [1], [0, 1, 1, 1], [], []>, transpose_lhs_hint = false} : vector<32x1024xf32>, vector<32x128xf32>, vector<1024x128xf32> -> vector<1024x128xf32>
    %max3A = arith.constant 1.000000e+00 : f32
    %max3A_14 = vector.broadcast %max3A : f32 to vector<1024x128xf32>
    %max3A_15 = arith.maximumf %dot_general3A_13, %max3A_14 : vector<1024x128xf32>
    %div3A = arith.divf %add3A, %max3A_15 : vector<1024x128xf32>
    %get3A_16 = arith.constant 0 : index
    %get3A_17 = arith.constant 0 : index
    %get3A_18 = vector.load %arg4[%get3A_16, %get3A_17] : memref<128x128xf32, #tpu.memory_space<vmem>>, vector<128x128xf32>
    %dot_general3A_19 = arith.constant dense<0.000000e+00> : vector<1024x128xf32>
    %dot_general3A_20 = tpu.matmul %div3A, %get3A_18, %dot_general3A_19 {dimension_numbers = #tpu.dot_dimension_numbers<[1], [0], [0], [1], [0, 0, 1, 1], [], []>, transpose_lhs_hint = false} : vector<1024x128xf32>, vector<128x128xf32>, vector<1024x128xf32> -> vector<1024x128xf32>
    %get3A_21 = arith.constant 0 : index
    %get3A_22 = arith.constant 0 : index
    %get3A_23 = vector.load %arg5[%get3A_21, %get3A_22] : memref<1x128xf32, #tpu.memory_space<vmem>>, vector<1x128xf32>
    %add3A_24 = vector.broadcast %get3A_23 : vector<1x128xf32> to vector<1024x128xf32>
    %add3A_25 = arith.addf %dot_general3A_20, %add3A_24 : vector<1024x128xf32>
    %get3A_26 = arith.constant 0 : index
    %get3A_27 = arith.constant 0 : index
    %get3A_28 = vector.load %arg3[%get3A_26, %get3A_27] : memref<1024x128xf32, #tpu.memory_space<vmem>>, vector<1024x128xf32>
    %get3A_29 = arith.constant 0 : index
    %get3A_30 = arith.constant 0 : index
    %get3A_31 = vector.load %arg6[%get3A_29, %get3A_30] : memref<128x128xf32, #tpu.memory_space<vmem>>, vector<128x128xf32>
    %dot_general3A_32 = arith.constant dense<0.000000e+00> : vector<1024x128xf32>
    %dot_general3A_33 = tpu.matmul %get3A_28, %get3A_31, %dot_general3A_32 {dimension_numbers = #tpu.dot_dimension_numbers<[1], [0], [0], [1], [0, 0, 1, 1], [], []>, transpose_lhs_hint = false} : vector<1024x128xf32>, vector<128x128xf32>, vector<1024x128xf32> -> vector<1024x128xf32>
    %add3A_34 = arith.addf %add3A_25, %dot_general3A_33 : vector<1024x128xf32>
    %max3A_35 = arith.constant 0.000000e+00 : f32
    %max3A_36 = vector.broadcast %max3A_35 : f32 to vector<1024x128xf32>
    %max3A_37 = arith.maximumf %add3A_34, %max3A_36 : vector<1024x128xf32>
    %swap3A = arith.constant 0 : index
    %swap3A_38 = arith.constant 0 : index
    %swap3A_39 = vector.load %arg7[%swap3A, %swap3A_38] : memref<1024x128xf32, #tpu.memory_space<vmem>>, vector<1024x128xf32>
    tpu.vector_store %arg7[%swap3A, %swap3A_38], %max3A_37 {strides = array<i32>} : memref<1024x128xf32, #tpu.memory_space<vmem>>, vector<1024x128xf32>,
    return
  }
  func.func @transform_0(%arg0: i32) -> (i32, i32, i32) {
    %c0_i32 = arith.constant 0 : i32
    %c0_i32_0 = arith.constant 0 : i32
    %c0_i32_1 = arith.constant 0 : i32
    return %c0_i32, %arg0, %c0_i32_0 : i32, i32, i32
  }
  func.func @transform_1(%arg0: i32) -> (i32, i32) {
    %c0_i32 = arith.constant 0 : i32
    %c0_i32_0 = arith.constant 0 : i32
    return %c0_i32, %arg0 : i32, i32
  }
  func.func @transform_2(%arg0: i32) -> (i32, i32) {
    %c0_i32 = arith.constant 0 : i32
    %c0_i32_0 = arith.constant 0 : i32
    return %arg0, %c0_i32 : i32, i32
  }
  func.func @transform_3(%arg0: i32) -> (i32, i32) {
    %c0_i32 = arith.constant 0 : i32
    %c0_i32_0 = arith.constant 0 : i32
    %c0_i32_1 = arith.constant 0 : i32
    return %c0_i32, %c0_i32_0 : i32, i32
  }
  func.func @transform_4(%arg0: i32) -> (i32, i32) {
    %c0_i32 = arith.constant 0 : i32
    %c0_i32_0 = arith.constant 0 : i32
    %c0_i32_1 = arith.constant 0 : i32
    return %c0_i32, %c0_i32_0 : i32, i32
  }
  func.func @transform_5(%arg0: i32) -> (i32, i32) {
    %c0_i32 = arith.constant 0 : i32
    %c0_i32_0 = arith.constant 0 : i32
    %c0_i32_1 = arith.constant 0 : i32
    return %c0_i32, %c0_i32_0 : i32, i32
  }
  func.func @transform_6(%arg0: i32) -> (i32, i32) {
    %c0_i32 = arith.constant 0 : i32
    %c0_i32_0 = arith.constant 0 : i32
    return %arg0, %c0_i32 : i32, i32
  }
}

</mosaic_0001>

<sc_bundles>
// kernel: kernel.6.cloned.1.call-start
scs
__scs_entry_jumppad:
0x0: {  	(pc) =	sbr.rel $0x88, $3  }
0x1: {  	(tag) =	ssettag $0x0;
	lr =	simm.s32 $0x1  }
0x2: {  	[smem:$0x3F99] =	sst lr;
	_ =	strace $0xD0000000  }
0x3: {  	_ = 	snop  }
0x4: {  	_ = 	snop  }
0x5: {  	_ = 	snop  }
0x6: {  	_ = 	snop  }
0x7: {  	_ = 	snop  }
__scs_overlays_trampoline_lowered:
0x8: {  	[smem:$0x3FA8] =	sst s0  }
0x9: {  	[smem:$0x3FA9] =	sst s1  }
0xa: {  	[smem:$0x3FAA] =	sst s2  }
0xb: {  	[smem:$0x3FAB] =	sst s3  }
0xc: {  	[smem:$0x3FAC] =	sst s4  }
0xd: {  	[smem:$0x3FAD] =	sst s5  }
0xe: {  	[smem:$0x3FAE] =	sst s6  }
0xf: {  	[smem:$0x3FAF] =	sst s7  }
0x10: {  	[smem:$0x3FB0] =	sst s8  }
0x11: {  	[smem:$0x3FB1] =	sst s9;
	s0 =	simm.s32 @!p0 $0x0  }
0x12: {  	s1 =	sld [smem:$0x3F97];
	s0 =	simm.s32 @p0 $0x1  }
0x13: {  	[smem:$0x3FB2] =	sst s0;
	s0 =	simm.s32 @!p1 $0x0  }
0x14: {  	s2 =	sld [smem:$0x3F96];
	s0 =	simm.s32 @p1 $0x1  }
0x15: {  	[smem:$0x3FB3] =	sst s0;
	s0 =	simm.s32 @!p2 $0x0  }
0x16: {  	s3 =	sld [smem:$0x3FDB];
	s0 =	simm.s32 @p2 $0x1  }
0x17: {  	s4 =	simm.s32 $0x1BF5;
	[smem:$0x3FB5] =	sst s0  }
0x18: {  	s0 =	sld [smem:$0x3F98];
	_ =	swait.ge [sflag:s4], $0x0  }
0x19: {  	s7 =	sld [smem:$0x3F99]  }
0x1a: {  	s8 =	sadd.s32 $0xFFFFE003, lr  }
0x1b: {  	s9 =	sadd.s32 $0xFFFFFEF7, lr;
	s5 =	simm.s32 $0xFFFFFFFF;
	p2 =	slt.u32 s8, $0xFFFFF086  }
0x1c: {  	p1 =	slt.u32 s9, $0xF7A;
	s5 =	simm.s32 @!p2 $0x0  }
0x1d: {  	s5 =	simm.s32 @p1 $0x1;
	p0 =	seq.s32 s7, s2  }
0x1e: {  	s7 =	smul.u32 @!p0 $0xF7A, s2;
	p2 =	seq.s32 @!p0 s5, $0x0  }
0x1f: {  	s9 =	smul.u32 $0xF7A, s1;
	s8 =	simm.s32 @!p0 $0x1BF5;
	p2 =	por !p2, p0  }
0x20: {  	[sflag:s8] =	ssyncset.s32 @!p0 $0xFFFFF086;
	s6 =	sadd.s32 @!p0 s3, s7;
	s7 =	simm.s32 @!p0 $0x108  }
0x21: {  	s3 =	sadd.s32 s3, s9;
	s6 =	sadd.s32 @!p0 $0x88, s6;
	s7 =	simm.s32 @p2 $0x1082  }
0x22: {  	[simem:s7], [sflag:s8] =	dma.local @!p0 [hbm:s6], $0xF7A  }
0x23: {  	s9 =	sor.u32 $0xD0000000, s2;
	s6 =	simm.s32 $0x108;
	_ =	swait.ge @!p0 [sflag:s8], $0x0  }
0x24: {  	s3 =	sadd.s32 $0x88, s3;
	s6 =	simm.s32 @!p1 $0x1082;
	[sflag:s4] =	ssyncset.s32 $0xFFFFF086  }
0x25: {  	[simem:s6], [sflag:s4] =	dma.local [hbm:s3], $0xF7A  }
0x26: {  	[smem:$0x3F99] =	sst s1;
	(tag) =	ssettag s2;
	_ =	strace s9  }
0x27: {  	s1 =	sld [smem:$0x3FA9]  }
0x28: {  	s2 =	sld [smem:$0x3FAA]  }
0x29: {  	s4 =	sld [smem:$0x3FAC]  }
0x2a: {  	p0 =	seq.s32 s5, $0x0;
	s5 =	sld [smem:$0x3FAD]  }
0x2b: {  	s6 =	sld [smem:$0x3FAE]  }
0x2c: {  	s7 =	sld [smem:$0x3FAF]  }
0x2d: {  	s3 =	simm.s32 $0x108;
	s8 =	sld [smem:$0x3FB0]  }
0x2e: {  	s3 =	simm.s32 @!p0 $0x1082;
	s9 =	sld [smem:$0x3FB1]  }
0x2f: {  	lr =	sadd.s32 s0, s3;
	s0 =	sld [smem:$0x3FA8]  }
0x30: {  	s3 =	sld [smem:$0x3FAB]  }
0x31: {  	[smem:$0x3FB4] =	sst s10  }
0x32: {  	s10 =	sld [smem:$0x3FB2];
	_ =	sdelay $0x3  }
0x33: {  	p0 =	seq.s32 s10, $0x1;
	s10 =	sld [smem:$0x3FB4];
	_ =	sdelay $0x3  }
0x34: {  	[smem:$0x3FB4] =	sst s10  }
0x35: {  	s10 =	sld [smem:$0x3FB3];
	_ =	sdelay $0x3  }
0x36: {  	p1 =	seq.s32 s10, $0x1;
	s10 =	sld [smem:$0x3FB4];
	_ =	sdelay $0x3  }
0x37: {  	[smem:$0x3FB4] =	sst s10  }
0x38: {  	s10 =	sld [smem:$0x3FB5]  }
0x39: {  	_ = 	snop;
	(pc) =	sbr.ind lr, $3  }
0x3a: {  	_ = 	snop  }
0x3b: {  	_ = 	snop  }
0x3c: {  	p2 =	seq.s32 s10, $0x1;
	s10 =	sld [smem:$0x3FB4]  }
0x3d: {  	_ =	shalt  }
0x3e: {  	_ =	shalt  }
0x3f: {  	_ =	shalt  }
0x40: {  	_ =	shalt  }
0x41: {  	_ =	shalt  }
0x42: {  	_ =	shalt  }
0x43: {  	_ =	shalt  }
0x44: {  	_ =	shalt  }
0x45: {  	_ =	shalt  }
0x46: {  	_ =	shalt  }
0x47: {  	_ =	shalt  }
0x48: {  	_ =	shalt  }
0x49: {  	_ =	shalt  }
0x4a: {  	_ =	shalt  }
0x4b: {  	_ =	shalt  }
0x4c: {  	_ =	shalt  }
0x4d: {  	_ =	shalt  }
0x4e: {  	_ =	shalt  }
0x4f: {  	_ =	shalt  }
0x50: {  	_ =	shalt  }
0x51: {  	_ =	shalt  }
0x52: {  	_ =	shalt  }
0x53: {  	_ =	shalt  }
0x54: {  	_ =	shalt  }
0x55: {  	_ =	shalt  }
0x56: {  	_ =	shalt  }
0x57: {  	_ =	shalt  }
0x58: {  	_ =	shalt  }
0x59: {  	_ =	shalt  }
0x5a: {  	_ =	shalt  }
0x5b: {  	_ =	shalt  }
0x5c: {  	_ =	shalt  }
0x5d: {  	_ =	shalt  }
0x5e: {  	_ =	shalt  }
0x5f: {  	_ =	shalt  }
0x60: {  	_ =	shalt  }
0x61: {  	_ =	shalt  }
0x62: {  	_ =	shalt  }
0x63: {  	_ =	shalt  }
0x64: {  	_ =	shalt  }
0x65: {  	_ =	shalt  }
0x66: {  	_ =	shalt  }
0x67: {  	_ =	shalt  }
0x68: {  	_ =	shalt  }
0x69: {  	_ =	shalt  }
0x6a: {  	_ =	shalt  }
0x6b: {  	_ =	shalt  }
0x6c: {  	_ =	shalt  }
0x6d: {  	_ =	shalt  }
0x6e: {  	_ =	shalt  }
0x6f: {  	_ =	shalt  }
0x70: {  	_ =	shalt  }
0x71: {  	_ =	shalt  }
0x72: {  	_ =	shalt  }
0x73: {  	_ =	shalt  }
0x74: {  	_ =	shalt  }
0x75: {  	_ =	shalt  }
0x76: {  	_ =	shalt  }
0x77: {  	_ =	shalt  }
0x78: {  	_ =	shalt  }
0x79: {  	_ =	shalt  }
0x7a: {  	_ =	shalt  }
0x7b: {  	_ =	shalt  }
0x7c: {  	_ =	shalt  }
0x7d: {  	_ =	shalt  }
0x7e: {  	_ =	shalt  }
0x7f: {  	_ =	shalt  }
0x80: {  	_ =	shalt  }
0x81: {  	_ =	shalt  }
0x82: {  	_ =	shalt  }
0x83: {  	_ =	shalt  }
0x84: {  	_ =	shalt  }
0x85: {  	_ =	shalt  }
0x86: {  	_ =	shalt  }
0x87: {  	_ =	shalt  }
.Lfunc_end0:
.L_simem_size_0:
called_computation_lowered:
.L_overlay_start_0:
0x88: {  	s2 =	sld [smem:$0x3FD9]  }
0x89: {  	s3 =	sld [smem:$0x3FFE];
	_ =	sdelay $0x1  }
0x8a: {  	s1 =	srdreg.scid  }
0x8b: {  	s0 =	sand.u32 $0x1, s1  }
0x8c: {  	s17 =	sshll.u32 s0, $0xA;
	s2 =	sadd.s32 s3, s2  }
0x8d: {  	s2 =	sadd.s32 s2, s17  }
0x8e: {  	[smem:$0x3FC0] =	sst s2  }
0x8f: {  	_ = 	snop  }
0x90: {  	s2 =	sld [smem:$0x3FC9]  }
0x91: {  	s18 =	sld [smem:$0x3FD0];
	(tm) =	ssettm $0x1  }
0x92: {  	s4 =	sld [smem:$0x3FFB];
	_ =	sdelay $0x3  }
0x93: {  	_ =	strace s4  }
0x94: {  	s4 =	sld [smem:$0x3FFC];
	_ =	sdelay $0x3  }
0x95: {  	_ =	strace s4  }
0x96: {  	s4 =	sld [smem:$0x3FFD];
	_ =	sdelay $0x3  }
0x97: {  	_ =	strace s4  }
0x98: {  	_ =	strace $0x8FFFFFFF  }
0x99: {  	s19 =	sld [smem:$0x3FDB];
	_ =	sdelay $0x1  }
0x9a: {  	s5 =	simm.s32 $_scs_section_size  }
0x9b: {  	s6 =	simm.s32 $_size__tile_overlayer_lowered;
	s7 =	simm.s32 $_tile_overlayer_lowered  }
0x9c: {  	s22 =	simm.s32 $0x1BFF;
	s21 =	sshll.u32 s7, $0x1;
	s4 =	sadd.s32 s5, s19  }
0x9d: {  	s8 =	simm.s32 $0x0;
	s20 =	sshll.u32 s6, $0x1;
	s6 =	sadd.s32 s21, s4  }
0x9e: {  	[timem:s8], [sflag:s22] =	dma.local [hbm:s6], s20  }
0x9f: {  	_ =	swait.ge [sflag:s22], s20  }
0xa0: {  	s5 =	ssub.s32 $0x0, s20;
	[sflag:s22] =	ssyncset.done $0x0  }
0xa1: {  	[sflag:s22] =	ssyncadd.s32 s5;
	_ =	sdelay $0x1  }
0xa2: {  	s23 =	simm.s32 $0x1B8B  }
0xa3: {  	_ =	swait.ge [sflag:s23], $0x1  }
0xa4: {  	[sflag:s23] =	ssyncset.done $0x0  }
0xa5: {  	s25 =	simm.s32 $0x1B8E;
	s24 =	sld [smem:$0x3FFE];
	[sflag:s23] =	ssyncadd.s32 $0xFFFFFFFF  }
0xa6: {  	s26 =	simm.s32 $execute0_lowered;
	[smem:$0x3FD2] =	sst s25  }
0xa7: {  	s6 =	sshll.u32 s26, $0x1;
	_ =	strace $0x80000046;
	[dreg:$0x1] =	wrdreg $0xFFFFFFFF  }
0xa8: {  	s28 =	simm.s32 $_size_execute0_lowered;
	s4 =	sadd.s32 s4, s6;
	[dreg:$0x0] =	wrdreg $0x0  }
0xa9: {  	s6 =	sshll.u32 s28, $0x1;
	[dreg:$0x2] =	wrdreg s4  }
0xaa: {  	[dreg:$0x3] =	wrdreg s6  }
0xab: {  	[dreg:$0x4] =	wrdreg $0xC0  }
0xac: {  	_ =	task [dreg:s8], $0x5FFFF  }
0xad: {  	[dreg:$0x1] =	wrdreg $0xFFFFFFFF  }
0xae: {  	[dreg:$0x0] =	wrdreg $0x60  }
0xaf: {  	[dreg:$0x2] =	wrdreg s2  }
0xb0: {  	[dreg:$0x3] =	wrdreg s24  }
0xb1: {  	[dreg:$0x4] =	wrdreg s18  }
0xb2: {  	[dreg:$0x5] =	wrdreg $0x82000  }
0xb3: {  	[dreg:$0x6] =	wrdreg $0x9  }
0xb4: {  	_ =	task.clear_ibuf [dreg:s8], $0x7FFFF;
	_ =	strace $0x90000046  }
0xb5: {  	s29 =	simm.s32 $0x9;
	_ =	strace $0x80000048  }
0xb6: {  	_ =	swait.ge [sflag:s29], $0x1  }
0xb7: {  	[sflag:s29] =	ssyncadd.s32 $0xFFFFFFFF  }
0xb8: {  	_ =	strace $0x90000048  }
0xb9: {  	_ =	sfence  }
0xba: {  	s30 =	sld [smem:$0x0];
	_ =	sdelay $0x2  }
0xbb: {  	s31 =	sshll.u32 s1, $0xD;
	s1 =	sshrl.u32 s1, $0x2  }
0xbc: {  	s3 =	sand.u32 $0x4000, s31;
	s1 =	sadd.s32 s1, s30  }
0xbd: {  	s0 =	sor.u32 s3, s0;
	s1 =	sshll.u32 s1, $0x11  }
0xbe: {  	s0 =	sor.u32 s1, s0  }
0xbf: {  	s0 =	sadd.s32 $0x8F2B, s0  }
0xc0: {  	[sflag:s0] =	ssyncadd.remote.s32 $0x1  }
0xc1: {  	_ =	sfence.sel $0xFFFF  }
0xc2: {  	[dreg:$0x0] =	wrdreg $0xFFFFFFFF;
	(pc) =	sbr.abs _section_cstart, $3  }
0xc3: {  	[dreg:$0x1] =	wrdreg $0xFFFFFFFF  }
0xc4: {  	_ =	task.clear_ibuf [dreg:s8], $0x2FFFF;
	_ =	strace $0x9FFFFFFF  }
0xc5: {  	(tm) =	ssettm $0x7FFFFFFF  }
tec
execute0_lowered:
.L_overlay_start_1:
0x0: {  	(tag) =	ssettag $0x1  }
0x1: {  	s1 =	rddreg [dreg:$0x0]  }
0x2: {  	s0 =	rddreg [dreg:$0x1]  }
0x3: {  	s3 =	rddreg [dreg:$0x3];
	s5 =	simm.s32 $0x0  }
0x4: {  	s2 =	srdreg.scid;
	s14 =	stileid.u32;
	s28 =	simm.s32 $0x80  }
0x5: {  	s29 =	simm.s32 $0x200;
	s30 =	simm.s32 $0x100;
	s31 =	simm.s32 $0x5  }
0x6: {  	[smem:$0x7FF] =	sst s5;
	s2 =	sand.u32 $0x1, s2;
	s7 =	smul.u32 $0x14000, s14  }
0x7: {  	s9 =	sadd.s32 $0x2600, s0;
	s10 =	sadd.s32 $0xC600, s0;
	s23 =	sshll.u32 s14, $0x7  }
0x8: {  	s11 =	sadd.s32 $0x16600, s0;
	s25 =	smul.u32 $0x50000, s14;
	s16 =	sshll.u32 s14, $0x6  }
0x9: {  	s4 =	smul.u32 $0x140000, s2;
	s6 =	sshll.u32 s2, $0x4;
	_ =	strace $0x80000047  }
0xa: {  	[dreg:$0x5] =	wrdreg s11;
	s24 =	ssub.s32 $0x2, s2;
	s2 =	smul.u32 $0x28000, s2  }
0xb: {  	s6 =	sor.u32 s14, s6;
	s12 =	sshrl.u32 s24, $0x1;
	s15 =	sshrl.u32 s25, $0x2  }
0xc: {  	s8 =	sshrl.u32 s6, $0x3;
	s4 =	sadd.s32 s7, s4;
	s6 =	smul.u32 $0x2800, s6  }
0xd: {  	s26 =	ssub.s32 s24, s12;
	s22 =	smul.u32 $0x14000, s8;
	s4 =	sshrl.u32 s4, $0x3  }
0xe: {  	s12 =	simm.s32 $0x4;
	s8 =	sand.u32 $0x380, s23;
	s4 =	sadd.s32 s4, s0  }
0xf: {  	s6 =	sshrl.u32 s6, $0x3;
	s7 =	sor.u32 s8, s22;
	s8 =	sadd.s32 s15, s3  }
0x10: {  	s17 =	sor.u32 $0x10, s6;
	s15 =	sadd.s32 s9, s6;
	s13 =	sor.u32 $0x20, s6  }
0x11: {  	s11 =	sadd.s32 s10, s6;
	s4 =	sadd.s32 $0x18E00, s4;
	[dreg:$0x6] =	wrdreg s8  }
0x12: {  	s22 =	smul.u32 $0x2800, s14;
	s18 =	sadd.s32 s9, s17;
	[dreg:$0xd] =	wrdreg s4  }
0x13: {  	s6 =	simm.s32 $0x3;
	s19 =	sadd.s32 s9, s13;
	[dreg:$0x7] =	wrdreg s18  }
0x14: {  	s14 =	simm.s32 $0x0;
	s20 =	sadd.s32 s10, s17;
	[dreg:$0x8] =	wrdreg s19  }
0x15: {  	s7 =	sshrl.u32 s7, $0x3;
	s21 =	sadd.s32 s10, s13;
	[dreg:$0x9] =	wrdreg s20  }
0x16: {  	s8 =	sor.u32 $0x1C09, s16;
	s23 =	sadd.s32 $0x30, s15;
	[dreg:$0xa] =	wrdreg s21  }
0x17: {  	s17 =	smov.u32 s15;
	s24 =	sadd.s32 $0x4F0, s11;
	[dreg:$0xb] =	wrdreg s23  }
0x18: {  	s13 =	simm.s32 $0x8;
	s0 =	sadd.s32 s7, s0;
	[dreg:$0xc] =	wrdreg s24  }
0x19: {  	s19 =	smax.u32 s26, $0x1;
	s25 =	sadd.s32 s22, s2;
	s24 =	simm.s32 $0x9  }
0x1a: {  	s7 =	simm.s32 $0x6;
	s18 =	sadd.s32 $0x68E00, s0;
	s2 =	sor.u32 $0x280, s25  }
0x1b: {  	s26 =	sor.u32 $0x180, s25;
	s0 =	sor.u32 $0x200, s25;
	s25 =	simm.s32 $0x1C200  }
0x1c: {  	s2 =	sshrl.u32 s2, $0x3;
	s4 =	sshrl.u32 s26, $0x3;
	s0 =	sshrl.u32 s0, $0x3  }
0x1d: {  	s26 =	simm.s32 $0x1;
	s20 =	sadd.s32 s2, s9;
	s21 =	sadd.s32 s4, s10  }
0x1e: {  	s22 =	sadd.s32 s0, s10;
	s23 =	sadd.s32 s0, s9;
	s0 =	simm.s32 $0x180  }
0x1f: {  	v0 =	vimm.f32 $1.000000000e+00;
	s4 =	simm.s32 $0x2;
	s2 =	simm.s32 $0x4200;
	s10 =	simm.s32 $0x7  }
.LBB2_1:
0x20: {  	s9 =	rddreg [dreg:$0x6]  }
0x21: {  	s15 =	rddreg [dreg:$0x5];
	s9 =	sshrl.u32 s9, $0x3  }
0x22: {  	[spmem:s9], [sflag:s8] =	dma.local [hbm:s15], $0x2800  }
0x23: {  	_ =	swait.ge [sflag:s24], $0x2800  }
0x24: {  	[sflag:s24] =	ssyncset.done $0x0  }
0x25: {  	[sflag:s24] =	ssyncadd.s32 $0xFFFFD800  }
0x26: {  	s16 =	rddreg [dreg:$0x2]  }
0x27: {  	[tilespmem:s25], [sflag:$0x9] =	stream.linear.gather [hbm4b:s16+s5], $0x2800, $0x38;
	[tilespmem:$0x1EA00] =	vst v63  }
0x28: {  	_ =	swait.ge [sflag:s24], $0x2800  }
0x29: {  	[sflag:s24] =	ssyncset.done $0x0  }
0x2a: {  	[sflag:s24] =	ssyncadd.s32 $0xFFFFD800  }
0x2b: {  	[bflag:$0x0] =	sbarrier.arrive $0xFFFF  }
0x2c: {  	[tilespmem:s5], [sflag:$0x1] =	stream.linear.gather [hbm4b:s17+s5], $0x80, $0x38;
	[tilespmem:$0x1EA00] =	vst v63  }
0x2d: {  	_ =	swait.ge [sflag:s26], $0x80  }
0x2e: {  	[sflag:s26] =	ssyncset.done $0x0  }
0x2f: {  	[sflag:s26] =	ssyncadd.s32 $0xFFFFFF80  }
0x30: {  	[tilespmem:s29], [sflag:$0x5] =	stream.indirect.gather [hbm4b:s1+s28], $0x80, s5, s28, $0xb8;
	[tilespmem:$0x1EA00] =	vst v63  }
0x31: {  	s16 =	rddreg [dreg:$0x7]  }
0x32: {  	[tilespmem:s28], [sflag:$0x2] =	stream.linear.gather [hbm4b:s16+s5], $0x80, $0x38;
	[tilespmem:$0x1EA00] =	vst v63  }
0x33: {  	_ = 	snop  }
0x34: {  	[tilespmem:s30], [sflag:$0x3] =	stream.linear.gather [hbm4b:s11+s5], $0x80, $0x38;
	[tilespmem:$0x1EA00] =	vst v63  }
0x35: {  	_ =	swait.ge [sflag:s31], $0x4000  }
0x36: {  	[sflag:s31] =	ssyncset.done $0x0  }
0x37: {  	s16 =	rddreg [dreg:$0x8];
	[sflag:s31] =	ssyncadd.s32 $0xFFFFC000  }
0x38: {  	[tilespmem:s5], [sflag:$0x1] =	stream.linear.gather [hbm4b:s16+s5], $0x80, $0x38;
	[tilespmem:$0x1EA00] =	vst v63  }
0x39: {  	s16 =	rddreg [dreg:$0x9]  }
0x3a: {  	[tilespmem:s0], [sflag:$0x4] =	stream.linear.gather [hbm4b:s16+s5], $0x80, $0x38;
	[tilespmem:$0x1EA00] =	vst v63  }
0x3b: {  	_ =	swait.ge [sflag:s4], $0x80  }
0x3c: {  	[sflag:s4] =	ssyncset.done $0x0  }
0x3d: {  	[sflag:s4] =	ssyncadd.s32 $0xFFFFFF80  }
0x3e: {  	[tilespmem:s2], [sflag:$0x6] =	stream.indirect.gather [hbm4b:s1+s28], $0x80, s28, s28, $0xb8;
	[tilespmem:$0x1EA00] =	vst v63  }
0x3f: {  	_ =	swait.ge [sflag:s6], $0x80  }
0x40: {  	[sflag:s6] =	ssyncset.done $0x0  }
0x41: {  	[sflag:s6] =	ssyncadd.s32 $0xFFFFFF80  }
0x42: {  	[spmem:s3] =	stream.indirect.scatter.add.f32 [tilespmem:s29], [sflag:$0x7], $0x80, s30, s28, $0xb8;
	[tilespmem:$0x1EA00] =	vst v63  }
0x43: {  	v1 =	vld [tilespmem:$0x100];
	_ =	sdelay $0x7  }
0x44: {  	[tilespmem:v1+s25+$0x0] =	vst.idx.add.f32.msk $0xffff, v0  }
0x45: {  	v1 =	vld [tilespmem:$0x110];
	_ =	sdelay $0x7  }
0x46: {  	[tilespmem:v1+s25+$0x0] =	vst.idx.add.f32.msk $0xffff, v0  }
0x47: {  	v1 =	vld [tilespmem:$0x120];
	_ =	sdelay $0x7  }
0x48: {  	[tilespmem:v1+s25+$0x0] =	vst.idx.add.f32.msk $0xffff, v0  }
0x49: {  	v1 =	vld [tilespmem:$0x130];
	_ =	sdelay $0x7  }
0x4a: {  	[tilespmem:v1+s25+$0x0] =	vst.idx.add.f32.msk $0xffff, v0  }
0x4b: {  	v1 =	vld [tilespmem:$0x140];
	_ =	sdelay $0x7  }
0x4c: {  	[tilespmem:v1+s25+$0x0] =	vst.idx.add.f32.msk $0xffff, v0  }
0x4d: {  	v1 =	vld [tilespmem:$0x150];
	_ =	sdelay $0x7  }
0x4e: {  	[tilespmem:v1+s25+$0x0] =	vst.idx.add.f32.msk $0xffff, v0  }
0x4f: {  	v1 =	vld [tilespmem:$0x160];
	_ =	sdelay $0x7  }
0x50: {  	[tilespmem:v1+s25+$0x0] =	vst.idx.add.f32.msk $0xffff, v0  }
0x51: {  	v1 =	vld [tilespmem:$0x170];
	_ =	sdelay $0x7  }
0x52: {  	[tilespmem:v1+s25+$0x0] =	vst.idx.add.f32.msk $0xffff, v0  }
0x53: {  	_ =	swait.ge [sflag:s7], $0x4000  }
0x54: {  	[sflag:s7] =	ssyncset.done $0x0  }
0x55: {  	[sflag:s7] =	ssyncadd.s32 $0xFFFFC000  }
0x56: {  	_ =	swait.ge [sflag:s10], $0x4000  }
0x57: {  	[sflag:s10] =	ssyncset.done $0x0  }
0x58: {  	s16 =	rddreg [dreg:$0xa];
	[sflag:s10] =	ssyncadd.s32 $0xFFFFC000  }
0x59: {  	[tilespmem:s30], [sflag:$0x3] =	stream.linear.gather [hbm4b:s16+s5], $0x80, $0x38;
	[tilespmem:$0x1EA00] =	vst v63  }
0x5a: {  	_ =	swait.ge [sflag:s26], $0x80  }
0x5b: {  	[sflag:s26] =	ssyncset.done $0x0  }
0x5c: {  	[sflag:s26] =	ssyncadd.s32 $0xFFFFFF80  }
0x5d: {  	[tilespmem:s29], [sflag:$0x5] =	stream.indirect.gather [hbm4b:s1+s28], $0x80, s5, s28, $0xb8;
	[tilespmem:$0x1EA00] =	vst v63  }
0x5e: {  	s16 =	rddreg [dreg:$0xb]  }
0x5f: {  	[tilespmem:s28], [sflag:$0x2] =	stream.linear.gather [hbm4b:s16+s5], $0x80, $0x38;
	[tilespmem:$0x1EA00] =	vst v63  }
0x60: {  	_ =	swait.ge [sflag:s12], $0x80  }
0x61: {  	[sflag:s12] =	ssyncset.done $0x0  }
0x62: {  	[sflag:s12] =	ssyncadd.s32 $0xFFFFFF80  }
0x63: {  	[spmem:s3] =	stream.indirect.scatter.add.f32 [tilespmem:s2], [sflag:$0x8], $0x80, s0, s28, $0xb8;
	[tilespmem:$0x1EA00] =	vst v63  }
0x64: {  	v1 =	vld [tilespmem:$0x180];
	_ =	sdelay $0x7  }
0x65: {  	[tilespmem:v1+s25+$0x0] =	vst.idx.add.f32.msk $0xffff, v0  }
0x66: {  	v1 =	vld [tilespmem:$0x190];
	_ =	sdelay $0x7  }
0x67: {  	[tilespmem:v1+s25+$0x0] =	vst.idx.add.f32.msk $0xffff, v0  }
0x68: {  	v1 =	vld [tilespmem:$0x1A0];
	_ =	sdelay $0x7  }
0x69: {  	[tilespmem:v1+s25+$0x0] =	vst.idx.add.f32.msk $0xffff, v0  }
0x6a: {  	v1 =	vld [tilespmem:$0x1B0];
	_ =	sdelay $0x7  }
0x6b: {  	[tilespmem:v1+s25+$0x0] =	vst.idx.add.f32.msk $0xffff, v0  }
0x6c: {  	v1 =	vld [tilespmem:$0x1C0];
	_ =	sdelay $0x7  }
0x6d: {  	[tilespmem:v1+s25+$0x0] =	vst.idx.add.f32.msk $0xffff, v0  }
0x6e: {  	v1 =	vld [tilespmem:$0x1D0];
	_ =	sdelay $0x7  }
0x6f: {  	[tilespmem:v1+s25+$0x0] =	vst.idx.add.f32.msk $0xffff, v0  }
0x70: {  	v1 =	vld [tilespmem:$0x1E0];
	_ =	sdelay $0x7  }
0x71: {  	[tilespmem:v1+s25+$0x0] =	vst.idx.add.f32.msk $0xffff, v0  }
0x72: {  	v1 =	vld [tilespmem:$0x1F0];
	_ =	sdelay $0x7  }
0x73: {  	s15 =	simm.s32 $0x0;
	[tilespmem:v1+s25+$0x0] =	vst.idx.add.f32.msk $0xffff, v0  }
.LBB2_2:
0x74: {  	_ =	swait.ge [sflag:s31], $0x4000  }
0x75: {  	[sflag:s31] =	ssyncset.done $0x0  }
0x76: {  	s16 =	sadd.s32 s15, s23;
	[sflag:s31] =	ssyncadd.s32 $0xFFFFC000  }
0x77: {  	[tilespmem:s5], [sflag:$0x1] =	stream.linear.gather [hbm4b:s16+s5], $0x80, $0x38;
	[tilespmem:$0x1EA00] =	vst v63  }
0x78: {  	_ =	swait.ge [sflag:s13], $0x4000  }
0x79: {  	[sflag:s13] =	ssyncset.done $0x0  }
0x7a: {  	s16 =	sadd.s32 s15, s21;
	[sflag:s13] =	ssyncadd.s32 $0xFFFFC000  }
0x7b: {  	[tilespmem:s0], [sflag:$0x4] =	stream.linear.gather [hbm4b:s16+s5], $0x80, $0x38;
	[tilespmem:$0x1EA00] =	vst v63  }
0x7c: {  	_ =	swait.ge [sflag:s4], $0x80  }
0x7d: {  	[sflag:s4] =	ssyncset.done $0x0  }
0x7e: {  	[sflag:s4] =	ssyncadd.s32 $0xFFFFFF80  }
0x7f: {  	[tilespmem:s2], [sflag:$0x6] =	stream.indirect.gather [hbm4b:s1+s28], $0x80, s28, s28, $0xb8;
	[tilespmem:$0x1EA00] =	vst v63  }
0x80: {  	_ =	swait.ge [sflag:s6], $0x80  }
0x81: {  	[sflag:s6] =	ssyncset.done $0x0  }
0x82: {  	[sflag:s6] =	ssyncadd.s32 $0xFFFFFF80  }
0x83: {  	[spmem:s3] =	stream.indirect.scatter.add.f32 [tilespmem:s29], [sflag:$0x7], $0x80, s30, s28, $0xb8;
	[tilespmem:$0x1EA00] =	vst v63  }
0x84: {  	v1 =	vld [tilespmem:$0x100];
	_ =	sdelay $0x7  }
0x85: {  	[tilespmem:v1+s25+$0x0] =	vst.idx.add.f32.msk $0xffff, v0  }
0x86: {  	v1 =	vld [tilespmem:$0x110];
	_ =	sdelay $0x7  }
0x87: {  	[tilespmem:v1+s25+$0x0] =	vst.idx.add.f32.msk $0xffff, v0  }
0x88: {  	v1 =	vld [tilespmem:$0x120];
	_ =	sdelay $0x7  }
0x89: {  	[tilespmem:v1+s25+$0x0] =	vst.idx.add.f32.msk $0xffff, v0  }
0x8a: {  	v1 =	vld [tilespmem:$0x130];
	_ =	sdelay $0x7  }
0x8b: {  	[tilespmem:v1+s25+$0x0] =	vst.idx.add.f32.msk $0xffff, v0  }
0x8c: {  	v1 =	vld [tilespmem:$0x140];
	_ =	sdelay $0x7  }
0x8d: {  	[tilespmem:v1+s25+$0x0] =	vst.idx.add.f32.msk $0xffff, v0  }
0x8e: {  	v1 =	vld [tilespmem:$0x150];
	_ =	sdelay $0x7  }
0x8f: {  	[tilespmem:v1+s25+$0x0] =	vst.idx.add.f32.msk $0xffff, v0  }
0x90: {  	v1 =	vld [tilespmem:$0x160];
	_ =	sdelay $0x7  }
0x91: {  	[tilespmem:v1+s25+$0x0] =	vst.idx.add.f32.msk $0xffff, v0  }
0x92: {  	v1 =	vld [tilespmem:$0x170];
	_ =	sdelay $0x7  }
0x93: {  	[tilespmem:v1+s25+$0x0] =	vst.idx.add.f32.msk $0xffff, v0  }
0x94: {  	_ =	swait.ge [sflag:s7], $0x4000  }
0x95: {  	[sflag:s7] =	ssyncset.done $0x0  }
0x96: {  	[sflag:s7] =	ssyncadd.s32 $0xFFFFC000  }
0x97: {  	_ =	swait.ge [sflag:s10], $0x4000  }
0x98: {  	[sflag:s10] =	ssyncset.done $0x0  }
0x99: {  	s16 =	sadd.s32 s15, s22;
	[sflag:s10] =	ssyncadd.s32 $0xFFFFC000  }
0x9a: {  	[tilespmem:s30], [sflag:$0x3] =	stream.linear.gather [hbm4b:s16+s5], $0x80, $0x38;
	[tilespmem:$0x1EA00] =	vst v63  }
0x9b: {  	_ =	swait.ge [sflag:s26], $0x80  }
0x9c: {  	[sflag:s26] =	ssyncset.done $0x0  }
0x9d: {  	[sflag:s26] =	ssyncadd.s32 $0xFFFFFF80  }
0x9e: {  	[tilespmem:s29], [sflag:$0x5] =	stream.indirect.gather [hbm4b:s1+s28], $0x80, s5, s28, $0xb8;
	[tilespmem:$0x1EA00] =	vst v63  }
0x9f: {  	s16 =	sadd.s32 s15, s20  }
0xa0: {  	[tilespmem:s28], [sflag:$0x2] =	stream.linear.gather [hbm4b:s16+s5], $0x80, $0x38;
	[tilespmem:$0x1EA00] =	vst v63  }
0xa1: {  	_ =	swait.ge [sflag:s12], $0x80  }
0xa2: {  	[sflag:s12] =	ssyncset.done $0x0  }
0xa3: {  	[sflag:s12] =	ssyncadd.s32 $0xFFFFFF80  }
0xa4: {  	[spmem:s3] =	stream.indirect.scatter.add.f32 [tilespmem:s2], [sflag:$0x8], $0x80, s0, s28, $0xb8;
	[tilespmem:$0x1EA00] =	vst v63  }
0xa5: {  	v1 =	vld [tilespmem:$0x180];
	_ =	sdelay $0x7  }
0xa6: {  	[tilespmem:v1+s25+$0x0] =	vst.idx.add.f32.msk $0xffff, v0  }
0xa7: {  	v1 =	vld [tilespmem:$0x190];
	_ =	sdelay $0x7  }
0xa8: {  	[tilespmem:v1+s25+$0x0] =	vst.idx.add.f32.msk $0xffff, v0  }
0xa9: {  	v1 =	vld [tilespmem:$0x1A0];
	_ =	sdelay $0x7  }
0xaa: {  	[tilespmem:v1+s25+$0x0] =	vst.idx.add.f32.msk $0xffff, v0  }
0xab: {  	v1 =	vld [tilespmem:$0x1B0];
	_ =	sdelay $0x7  }
0xac: {  	[tilespmem:v1+s25+$0x0] =	vst.idx.add.f32.msk $0xffff, v0  }
0xad: {  	v1 =	vld [tilespmem:$0x1C0];
	_ =	sdelay $0x7  }
0xae: {  	[tilespmem:v1+s25+$0x0] =	vst.idx.add.f32.msk $0xffff, v0  }
0xaf: {  	v1 =	vld [tilespmem:$0x1D0];
	_ =	sdelay $0x7  }
0xb0: {  	[tilespmem:v1+s25+$0x0] =	vst.idx.add.f32.msk $0xffff, v0  }
0xb1: {  	v1 =	vld [tilespmem:$0x1E0];
	_ =	sdelay $0x7  }
0xb2: {  	[tilespmem:v1+s25+$0x0] =	vst.idx.add.f32.msk $0xffff, v0  }
0xb3: {  	v1 =	vld [tilespmem:$0x1F0];
	_ =	sdelay $0x2  }
0xb4: {  	p0 =	sne.s32 s15, $0x4A0  }
.Ltmp0:
0xb5: {  	_ = 	snop;
	(pc) =	sbr.rel @p0 .LBB2_2-.Ltmp0, $2  }
0xb6: {  	_ =	sdelay $0x2  }
0xb7: {  	s15 =	sadd.s32 $0x20, s15;
	[tilespmem:v1+s25+$0x0] =	vst.idx.add.f32.msk $0xffff, v0  }
0xb8: {  	_ =	swait.ge [sflag:s31], $0x4000  }
0xb9: {  	[sflag:s31] =	ssyncset.done $0x0  }
0xba: {  	[sflag:s31] =	ssyncadd.s32 $0xFFFFC000  }
0xbb: {  	_ =	swait.ge [sflag:s13], $0x4000  }
0xbc: {  	[sflag:s13] =	ssyncset.done $0x0  }
0xbd: {  	s15 =	rddreg [dreg:$0xc];
	[sflag:s13] =	ssyncadd.s32 $0xFFFFC000  }
0xbe: {  	[tilespmem:s0], [sflag:$0x4] =	stream.linear.gather [hbm4b:s15+s5], $0x80, $0x38;
	[tilespmem:$0x1EA00] =	vst v63  }
0xbf: {  	_ =	swait.ge [sflag:s4], $0x80  }
0xc0: {  	[sflag:s4] =	ssyncset.done $0x0  }
0xc1: {  	[sflag:s4] =	ssyncadd.s32 $0xFFFFFF80  }
0xc2: {  	[tilespmem:s2], [sflag:$0x6] =	stream.indirect.gather [hbm4b:s1+s28], $0x80, s28, s28, $0xb8;
	[tilespmem:$0x1EA00] =	vst v63  }
0xc3: {  	_ =	swait.ge [sflag:s6], $0x80  }
0xc4: {  	[sflag:s6] =	ssyncset.done $0x0  }
0xc5: {  	[sflag:s6] =	ssyncadd.s32 $0xFFFFFF80  }
0xc6: {  	[spmem:s3] =	stream.indirect.scatter.add.f32 [tilespmem:s29], [sflag:$0x7], $0x80, s30, s28, $0xb8;
	[tilespmem:$0x1EA00] =	vst v63  }
0xc7: {  	v1 =	vld [tilespmem:$0x100];
	_ =	sdelay $0x7  }
0xc8: {  	[tilespmem:v1+s25+$0x0] =	vst.idx.add.f32.msk $0xffff, v0  }
0xc9: {  	v1 =	vld [tilespmem:$0x110];
	_ =	sdelay $0x7  }
0xca: {  	[tilespmem:v1+s25+$0x0] =	vst.idx.add.f32.msk $0xffff, v0  }
0xcb: {  	v1 =	vld [tilespmem:$0x120];
	_ =	sdelay $0x7  }
0xcc: {  	[tilespmem:v1+s25+$0x0] =	vst.idx.add.f32.msk $0xffff, v0  }
0xcd: {  	v1 =	vld [tilespmem:$0x130];
	_ =	sdelay $0x7  }
0xce: {  	[tilespmem:v1+s25+$0x0] =	vst.idx.add.f32.msk $0xffff, v0  }
0xcf: {  	v1 =	vld [tilespmem:$0x140];
	_ =	sdelay $0x7  }
0xd0: {  	[tilespmem:v1+s25+$0x0] =	vst.idx.add.f32.msk $0xffff, v0  }
0xd1: {  	v1 =	vld [tilespmem:$0x150];
	_ =	sdelay $0x7  }
0xd2: {  	[tilespmem:v1+s25+$0x0] =	vst.idx.add.f32.msk $0xffff, v0  }
0xd3: {  	v1 =	vld [tilespmem:$0x160];
	_ =	sdelay $0x7  }
0xd4: {  	[tilespmem:v1+s25+$0x0] =	vst.idx.add.f32.msk $0xffff, v0  }
0xd5: {  	v1 =	vld [tilespmem:$0x170];
	_ =	sdelay $0x7  }
0xd6: {  	[tilespmem:v1+s25+$0x0] =	vst.idx.add.f32.msk $0xffff, v0  }
0xd7: {  	_ =	swait.ge [sflag:s7], $0x4000  }
0xd8: {  	[sflag:s7] =	ssyncset.done $0x0  }
0xd9: {  	[sflag:s7] =	ssyncadd.s32 $0xFFFFC000  }
0xda: {  	_ =	swait.ge [sflag:s10], $0x4000  }
0xdb: {  	[sflag:s10] =	ssyncset.done $0x0  }
0xdc: {  	[sflag:s10] =	ssyncadd.s32 $0xFFFFC000  }
0xdd: {  	_ =	swait.ge [sflag:s12], $0x80  }
0xde: {  	[sflag:s12] =	ssyncset.done $0x0  }
0xdf: {  	[sflag:s12] =	ssyncadd.s32 $0xFFFFFF80  }
0xe0: {  	[spmem:s3] =	stream.indirect.scatter.add.f32 [tilespmem:s2], [sflag:$0x8], $0x80, s0, s28, $0xb8;
	[tilespmem:$0x1EA00] =	vst v63  }
0xe1: {  	v1 =	vld [tilespmem:$0x180];
	_ =	sdelay $0x7  }
0xe2: {  	[tilespmem:v1+s25+$0x0] =	vst.idx.add.f32.msk $0xffff, v0  }
0xe3: {  	v1 =	vld [tilespmem:$0x190];
	_ =	sdelay $0x7  }
0xe4: {  	[tilespmem:v1+s25+$0x0] =	vst.idx.add.f32.msk $0xffff, v0  }
0xe5: {  	v1 =	vld [tilespmem:$0x1A0];
	_ =	sdelay $0x7  }
0xe6: {  	[tilespmem:v1+s25+$0x0] =	vst.idx.add.f32.msk $0xffff, v0  }
0xe7: {  	v1 =	vld [tilespmem:$0x1B0];
	_ =	sdelay $0x7  }
0xe8: {  	[tilespmem:v1+s25+$0x0] =	vst.idx.add.f32.msk $0xffff, v0  }
0xe9: {  	v1 =	vld [tilespmem:$0x1C0];
	_ =	sdelay $0x7  }
0xea: {  	[tilespmem:v1+s25+$0x0] =	vst.idx.add.f32.msk $0xffff, v0  }
0xeb: {  	v1 =	vld [tilespmem:$0x1D0];
	_ =	sdelay $0x7  }
0xec: {  	[tilespmem:v1+s25+$0x0] =	vst.idx.add.f32.msk $0xffff, v0  }
0xed: {  	v1 =	vld [tilespmem:$0x1E0];
	_ =	sdelay $0x7  }
0xee: {  	[tilespmem:v1+s25+$0x0] =	vst.idx.add.f32.msk $0xffff, v0  }
0xef: {  	v1 =	vld [tilespmem:$0x1F0];
	_ =	sdelay $0x7  }
0xf0: {  	[tilespmem:v1+s25+$0x0] =	vst.idx.add.f32.msk $0xffff, v0  }
0xf1: {  	_ =	swait.ge [sflag:s13], $0x4000  }
0xf2: {  	[sflag:s13] =	ssyncset.done $0x0  }
0xf3: {  	[sflag:s13] =	ssyncadd.s32 $0xFFFFC000  }
0xf4: {  	[bflag:$0x0] =	sbarrier.arrive $0xFFFF  }
0xf5: {  	s16 =	rddreg [dreg:$0xd]  }
0xf6: {  	[hbm:s16], [sflag:s8] =	dma.local [spmem:s9], $0x2800  }
0xf7: {  	s14 =	sadd.s32 $0x1, s14;
	_ =	swait.ge [sflag:s24], $0x2800  }
0xf8: {  	p0 =	sne.s32 s14, s19;
	[sflag:s24] =	ssyncset.done $0x0  }
.Ltmp1:
0xf9: {  	s16 =	simm.s32 $0x400;
	[sflag:s24] =	ssyncadd.s32 $0xFFFFD800;
	(pc) =	sbr.rel @p0 .LBB2_1-.Ltmp1, $4  }
0xfa: {  	[hbm4b:s18+s28] =	stream.strided.scatter [tilespmem:s25], [sflag:$0x9], $0x2800, s16, s28, $0x38;
	[tilespmem:$0x1EA00] =	vst v63  }
0xfb: {  	_ =	swait.ge [sflag:s24], $0x2800  }
0xfc: {  	[sflag:s24] =	ssyncset.done $0x0  }
0xfd: {  	[sflag:s24] =	ssyncadd.s32 $0xFFFFD800  }
0xfe: {  	_ =	sfence.sel $0x180000  }
0xff: {  	[bflag:$0x0] =	sbarrier.arrive $0xFFFF  }
0x100: {  	_ =	strace $0x90000047  }
0x101: {  	s0 =	stileid.u32;
	[bflag:$0x2] =	sbarrier.arrive $0xFFFF  }
0x102: {  	p0 =	sne.s32 s0, $0x0;
	s0 =	rddreg [dreg:$0x4]  }
0x103: {  	s0 =	sadd.s32 @!p0 $0x100000, s0  }
0x104: {  	[sflag:s0] =	ssyncadd.tile.s32 @!p0 $0x1;
	_ =	shalt  }
.Lfunc_end2:
_tile_overlayer_lowered:
.L_overlay_start_2:
0x105: {  	(tag) =	ssettag $0x2  }
0x106: {  	s0 =	rddreg [dreg:$0x0];
	s2 =	stileid.u32  }
0x107: {  	s1 =	rddreg [dreg:$0x1];
	p0 =	sne.s32 s2, $0x0  }
0x108: {  	s3 =	rddreg [dreg:$0x2];
	[bflag:$0x3] =	sbarrier.arrive $0xFFFF;
	s2 =	simm.s32 @!p0 $0x1C09  }
0x109: {  	[timem:s3], [sflag:s2] =	dma.local @!p0 [hbm:s0], s1  }
0x10a: {  	s0 =	simm.s32 @!p0 $0x9  }
0x10b: {  	_ =	swait.ge @!p0 [sflag:s0], s1  }
0x10c: {  	s1 =	ssub.s32 @!p0 $0x0, s1;
	[sflag:s0] =	ssyncset.done @!p0 $0x0  }
0x10d: {  	[sflag:s0] =	ssyncadd.s32 @!p0 s1  }
0x10e: {  	[bflag:$0x3] =	sbarrier.arrive $0xFFFF  }
0x10f: {  	_ =	shalt  }

// kernel: kernel.9.cloned.1.call-start
scs
__scs_entry_jumppad:
0x0: {  	(pc) =	sbr.rel $0x88, $3  }
0x1: {  	(tag) =	ssettag $0x0;
	lr =	simm.s32 $0x1  }
0x2: {  	[smem:$0x3F99] =	sst lr;
	_ =	strace $0xD0000000  }
0x3: {  	_ = 	snop  }
0x4: {  	_ = 	snop  }
0x5: {  	_ = 	snop  }
0x6: {  	_ = 	snop  }
0x7: {  	_ = 	snop  }
__scs_overlays_trampoline_lowered:
0x8: {  	[smem:$0x3FA8] =	sst s0  }
0x9: {  	[smem:$0x3FA9] =	sst s1  }
0xa: {  	[smem:$0x3FAA] =	sst s2  }
0xb: {  	[smem:$0x3FAB] =	sst s3  }
0xc: {  	[smem:$0x3FAC] =	sst s4  }
0xd: {  	[smem:$0x3FAD] =	sst s5  }
0xe: {  	[smem:$0x3FAE] =	sst s6  }
0xf: {  	[smem:$0x3FAF] =	sst s7  }
0x10: {  	[smem:$0x3FB0] =	sst s8  }
0x11: {  	[smem:$0x3FB1] =	sst s9;
	s0 =	simm.s32 @!p0 $0x0  }
0x12: {  	s1 =	sld [smem:$0x3F97];
	s0 =	simm.s32 @p0 $0x1  }
0x13: {  	[smem:$0x3FB2] =	sst s0;
	s0 =	simm.s32 @!p1 $0x0  }
0x14: {  	s2 =	sld [smem:$0x3F96];
	s0 =	simm.s32 @p1 $0x1  }
0x15: {  	[smem:$0x3FB3] =	sst s0;
	s0 =	simm.s32 @!p2 $0x0  }
0x16: {  	s3 =	sld [smem:$0x3FDB];
	s0 =	simm.s32 @p2 $0x1  }
0x17: {  	s4 =	simm.s32 $0x1BF5;
	[smem:$0x3FB5] =	sst s0  }
0x18: {  	s0 =	sld [smem:$0x3F98];
	_ =	swait.ge [sflag:s4], $0x0  }
0x19: {  	s7 =	sld [smem:$0x3F99]  }
0x1a: {  	s8 =	sadd.s32 $0xFFFFE003, lr  }
0x1b: {  	s9 =	sadd.s32 $0xFFFFFEF7, lr;
	s5 =	simm.s32 $0xFFFFFFFF;
	p2 =	slt.u32 s8, $0xFFFFF086  }
0x1c: {  	p1 =	slt.u32 s9, $0xF7A;
	s5 =	simm.s32 @!p2 $0x0  }
0x1d: {  	s5 =	simm.s32 @p1 $0x1;
	p0 =	seq.s32 s7, s2  }
0x1e: {  	s7 =	smul.u32 @!p0 $0xF7A, s2;
	p2 =	seq.s32 @!p0 s5, $0x0  }
0x1f: {  	s9 =	smul.u32 $0xF7A, s1;
	s8 =	simm.s32 @!p0 $0x1BF5;
	p2 =	por !p2, p0  }
0x20: {  	[sflag:s8] =	ssyncset.s32 @!p0 $0xFFFFF086;
	s6 =	sadd.s32 @!p0 s3, s7;
	s7 =	simm.s32 @!p0 $0x108  }
0x21: {  	s3 =	sadd.s32 s3, s9;
	s6 =	sadd.s32 @!p0 $0x88, s6;
	s7 =	simm.s32 @p2 $0x1082  }
0x22: {  	[simem:s7], [sflag:s8] =	dma.local @!p0 [hbm:s6], $0xF7A  }
0x23: {  	s9 =	sor.u32 $0xD0000000, s2;
	s6 =	simm.s32 $0x108;
	_ =	swait.ge @!p0 [sflag:s8], $0x0  }
0x24: {  	s3 =	sadd.s32 $0x88, s3;
	s6 =	simm.s32 @!p1 $0x1082;
	[sflag:s4] =	ssyncset.s32 $0xFFFFF086  }
0x25: {  	[simem:s6], [sflag:s4] =	dma.local [hbm:s3], $0xF7A  }
0x26: {  	[smem:$0x3F99] =	sst s1;
	(tag) =	ssettag s2;
	_ =	strace s9  }
0x27: {  	s1 =	sld [smem:$0x3FA9]  }
0x28: {  	s2 =	sld [smem:$0x3FAA]  }
0x29: {  	s4 =	sld [smem:$0x3FAC]  }
0x2a: {  	p0 =	seq.s32 s5, $0x0;
	s5 =	sld [smem:$0x3FAD]  }
0x2b: {  	s6 =	sld [smem:$0x3FAE]  }
0x2c: {  	s7 =	sld [smem:$0x3FAF]  }
0x2d: {  	s3 =	simm.s32 $0x108;
	s8 =	sld [smem:$0x3FB0]  }
0x2e: {  	s3 =	simm.s32 @!p0 $0x1082;
	s9 =	sld [smem:$0x3FB1]  }
0x2f: {  	lr =	sadd.s32 s0, s3;
	s0 =	sld [smem:$0x3FA8]  }
0x30: {  	s3 =	sld [smem:$0x3FAB]  }
0x31: {  	[smem:$0x3FB4] =	sst s10  }
0x32: {  	s10 =	sld [smem:$0x3FB2];
	_ =	sdelay $0x3  }
0x33: {  	p0 =	seq.s32 s10, $0x1;
	s10 =	sld [smem:$0x3FB4];
	_ =	sdelay $0x3  }
0x34: {  	[smem:$0x3FB4] =	sst s10  }
0x35: {  	s10 =	sld [smem:$0x3FB3];
	_ =	sdelay $0x3  }
0x36: {  	p1 =	seq.s32 s10, $0x1;
	s10 =	sld [smem:$0x3FB4];
	_ =	sdelay $0x3  }
0x37: {  	[smem:$0x3FB4] =	sst s10  }
0x38: {  	s10 =	sld [smem:$0x3FB5]  }
0x39: {  	_ = 	snop;
	(pc) =	sbr.ind lr, $3  }
0x3a: {  	_ = 	snop  }
0x3b: {  	_ = 	snop  }
0x3c: {  	p2 =	seq.s32 s10, $0x1;
	s10 =	sld [smem:$0x3FB4]  }
0x3d: {  	_ =	shalt  }
0x3e: {  	_ =	shalt  }
0x3f: {  	_ =	shalt  }
0x40: {  	_ =	shalt  }
0x41: {  	_ =	shalt  }
0x42: {  	_ =	shalt  }
0x43: {  	_ =	shalt  }
0x44: {  	_ =	shalt  }
0x45: {  	_ =	shalt  }
0x46: {  	_ =	shalt  }
0x47: {  	_ =	shalt  }
0x48: {  	_ =	shalt  }
0x49: {  	_ =	shalt  }
0x4a: {  	_ =	shalt  }
0x4b: {  	_ =	shalt  }
0x4c: {  	_ =	shalt  }
0x4d: {  	_ =	shalt  }
0x4e: {  	_ =	shalt  }
0x4f: {  	_ =	shalt  }
0x50: {  	_ =	shalt  }
0x51: {  	_ =	shalt  }
0x52: {  	_ =	shalt  }
0x53: {  	_ =	shalt  }
0x54: {  	_ =	shalt  }
0x55: {  	_ =	shalt  }
0x56: {  	_ =	shalt  }
0x57: {  	_ =	shalt  }
0x58: {  	_ =	shalt  }
0x59: {  	_ =	shalt  }
0x5a: {  	_ =	shalt  }
0x5b: {  	_ =	shalt  }
0x5c: {  	_ =	shalt  }
0x5d: {  	_ =	shalt  }
0x5e: {  	_ =	shalt  }
0x5f: {  	_ =	shalt  }
0x60: {  	_ =	shalt  }
0x61: {  	_ =	shalt  }
0x62: {  	_ =	shalt  }
0x63: {  	_ =	shalt  }
0x64: {  	_ =	shalt  }
0x65: {  	_ =	shalt  }
0x66: {  	_ =	shalt  }
0x67: {  	_ =	shalt  }
0x68: {  	_ =	shalt  }
0x69: {  	_ =	shalt  }
0x6a: {  	_ =	shalt  }
0x6b: {  	_ =	shalt  }
0x6c: {  	_ =	shalt  }
0x6d: {  	_ =	shalt  }
0x6e: {  	_ =	shalt  }
0x6f: {  	_ =	shalt  }
0x70: {  	_ =	shalt  }
0x71: {  	_ =	shalt  }
0x72: {  	_ =	shalt  }
0x73: {  	_ =	shalt  }
0x74: {  	_ =	shalt  }
0x75: {  	_ =	shalt  }
0x76: {  	_ =	shalt  }
0x77: {  	_ =	shalt  }
0x78: {  	_ =	shalt  }
0x79: {  	_ =	shalt  }
0x7a: {  	_ =	shalt  }
0x7b: {  	_ =	shalt  }
0x7c: {  	_ =	shalt  }
0x7d: {  	_ =	shalt  }
0x7e: {  	_ =	shalt  }
0x7f: {  	_ =	shalt  }
0x80: {  	_ =	shalt  }
0x81: {  	_ =	shalt  }
0x82: {  	_ =	shalt  }
0x83: {  	_ =	shalt  }
0x84: {  	_ =	shalt  }
0x85: {  	_ =	shalt  }
0x86: {  	_ =	shalt  }
0x87: {  	_ =	shalt  }
.Lfunc_end0:
.L_simem_size_0:
called_computation.1_lowered:
.L_overlay_start_0:
0x88: {  	s2 =	sld [smem:$0x3FD9]  }
0x89: {  	s3 =	sld [smem:$0x3FFE];
	_ =	sdelay $0x1  }
0x8a: {  	s1 =	srdreg.scid  }
0x8b: {  	s0 =	sand.u32 $0x1, s1  }
0x8c: {  	s17 =	sshll.u32 s0, $0xA;
	s2 =	sadd.s32 s3, s2  }
0x8d: {  	s2 =	sadd.s32 s2, s17  }
0x8e: {  	[smem:$0x3FC0] =	sst s2  }
0x8f: {  	_ = 	snop  }
0x90: {  	s2 =	sld [smem:$0x3FD0];
	(tm) =	ssettm $0x1  }
0x91: {  	s18 =	sld [smem:$0x3FFB];
	_ =	sdelay $0x3  }
0x92: {  	_ =	strace s18  }
0x93: {  	s3 =	sld [smem:$0x3FFC];
	_ =	sdelay $0x3  }
0x94: {  	_ =	strace s3  }
0x95: {  	s3 =	sld [smem:$0x3FFD];
	_ =	sdelay $0x3  }
0x96: {  	_ =	strace s3  }
0x97: {  	_ =	strace $0x8FFFFFFF  }
0x98: {  	s19 =	sld [smem:$0x3FDB];
	_ =	sdelay $0x1  }
0x99: {  	s4 =	simm.s32 $_scs_section_size  }
0x9a: {  	s5 =	simm.s32 $_size__tile_overlayer_lowered;
	s6 =	simm.s32 $_tile_overlayer_lowered  }
0x9b: {  	s22 =	simm.s32 $0x1BFF;
	s21 =	sshll.u32 s6, $0x1;
	s3 =	sadd.s32 s4, s19  }
0x9c: {  	s7 =	simm.s32 $0x0;
	s20 =	sshll.u32 s5, $0x1;
	s5 =	sadd.s32 s21, s3  }
0x9d: {  	[timem:s7], [sflag:s22] =	dma.local [hbm:s5], s20  }
0x9e: {  	_ =	swait.ge [sflag:s22], s20  }
0x9f: {  	s4 =	ssub.s32 $0x0, s20;
	[sflag:s22] =	ssyncset.done $0x0  }
0xa0: {  	[sflag:s22] =	ssyncadd.s32 s4;
	_ =	sdelay $0x1  }
0xa1: {  	s23 =	simm.s32 $0x1B8B  }
0xa2: {  	_ =	swait.ge [sflag:s23], $0x1  }
0xa3: {  	[sflag:s23] =	ssyncset.done $0x0  }
0xa4: {  	s25 =	simm.s32 $0x1B8E;
	s24 =	sld [smem:$0x3FFE];
	[sflag:s23] =	ssyncadd.s32 $0xFFFFFFFF  }
0xa5: {  	s26 =	simm.s32 $execute0_lowered;
	[smem:$0x3FD2] =	sst s25  }
0xa6: {  	s5 =	sshll.u32 s26, $0x1;
	_ =	strace $0x80000049;
	[dreg:$0x1] =	wrdreg $0xFFFFFFFF  }
0xa7: {  	s28 =	simm.s32 $_size_execute0_lowered;
	s3 =	sadd.s32 s3, s5;
	[dreg:$0x0] =	wrdreg $0x0  }
0xa8: {  	s5 =	sshll.u32 s28, $0x1;
	[dreg:$0x2] =	wrdreg s3  }
0xa9: {  	[dreg:$0x3] =	wrdreg s5  }
0xaa: {  	[dreg:$0x4] =	wrdreg $0xC0  }
0xab: {  	_ =	task [dreg:s7], $0x5FFFF  }
0xac: {  	[dreg:$0x1] =	wrdreg $0xFFFFFFFF  }
0xad: {  	[dreg:$0x0] =	wrdreg $0x60  }
0xae: {  	[dreg:$0x2] =	wrdreg s2  }
0xaf: {  	[dreg:$0x3] =	wrdreg s24  }
0xb0: {  	[dreg:$0x4] =	wrdreg $0x82000  }
0xb1: {  	[dreg:$0x5] =	wrdreg $0x9  }
0xb2: {  	_ =	task.clear_ibuf [dreg:s7], $0x6FFFF;
	_ =	strace $0x90000049  }
0xb3: {  	s29 =	simm.s32 $0x9;
	_ =	strace $0x8000004B  }
0xb4: {  	_ =	swait.ge [sflag:s29], $0x1  }
0xb5: {  	[sflag:s29] =	ssyncadd.s32 $0xFFFFFFFF  }
0xb6: {  	_ =	strace $0x9000004B  }
0xb7: {  	_ =	sfence  }
0xb8: {  	s30 =	sld [smem:$0x0];
	_ =	sdelay $0x2  }
0xb9: {  	s31 =	sshll.u32 s1, $0xD;
	s1 =	sshrl.u32 s1, $0x2  }
0xba: {  	s3 =	sand.u32 $0x4000, s31;
	s1 =	sadd.s32 s1, s30  }
0xbb: {  	s0 =	sor.u32 s3, s0;
	s1 =	sshll.u32 s1, $0x11  }
0xbc: {  	s0 =	sor.u32 s1, s0  }
0xbd: {  	s0 =	sadd.s32 $0x8F2B, s0  }
0xbe: {  	[sflag:s0] =	ssyncadd.remote.s32 $0x1  }
0xbf: {  	_ =	sfence.sel $0xFFFF  }
0xc0: {  	[dreg:$0x0] =	wrdreg $0xFFFFFFFF;
	(pc) =	sbr.abs _section_cstart, $3  }
0xc1: {  	[dreg:$0x1] =	wrdreg $0xFFFFFFFF  }
0xc2: {  	_ =	task.clear_ibuf [dreg:s7], $0x2FFFF;
	_ =	strace $0x9FFFFFFF  }
0xc3: {  	(tm) =	ssettm $0x7FFFFFFF  }
tec
execute0_lowered:
.L_overlay_start_1:
0x0: {  	(tag) =	ssettag $0x1  }
0x1: {  	s1 =	rddreg [dreg:$0x0]  }
0x2: {  	s0 =	rddreg [dreg:$0x1]  }
0x3: {  	s2 =	rddreg [dreg:$0x2]  }
0x4: {  	s3 =	srdreg.scid;
	s4 =	simm.s32 $0x0;
	s12 =	stileid.u32  }
0x5: {  	s28 =	simm.s32 $0x5;
	s29 =	simm.s32 $0x180;
	s30 =	simm.s32 $0x2  }
0x6: {  	s31 =	simm.s32 $0x4200;
	s3 =	sand.u32 $0x1, s3;
	[smem:$0x7FF] =	sst s4  }
0x7: {  	s6 =	smul.u32 $0x14000, s12;
	s8 =	sadd.s32 $0x2600, s0;
	s9 =	sadd.s32 $0xC600, s0  }
0x8: {  	s10 =	smul.u32 $0x50000, s12;
	s13 =	sadd.s32 $0x16600, s0;
	s18 =	sshll.u32 s12, $0x6  }
0x9: {  	s5 =	smul.u32 $0x140000, s3;
	_ =	strace $0x8000004A;
	s25 =	sshll.u32 s3, $0x4  }
0xa: {  	s7 =	ssub.s32 $0x2, s3;
	[dreg:$0x4] =	wrdreg s13;
	s3 =	smul.u32 $0x28000, s3  }
0xb: {  	s11 =	sshrl.u32 s7, $0x1;
	s17 =	sshrl.u32 s10, $0x2;
	s5 =	sadd.s32 s6, s5  }
0xc: {  	s6 =	sor.u32 s12, s25;
	s26 =	ssub.s32 s7, s11;
	s12 =	smul.u32 $0x2800, s12  }
0xd: {  	s7 =	sadd.s32 s17, s2;
	s5 =	sshrl.u32 s5, $0x3;
	s6 =	smul.u32 $0x2800, s6  }
0xe: {  	[dreg:$0x5] =	wrdreg s7;
	s7 =	sor.u32 $0x1C09, s18;
	s17 =	smax.u32 s26, $0x1  }
0xf: {  	s0 =	sadd.s32 s5, s0;
	s3 =	sadd.s32 s12, s3;
	s5 =	simm.s32 $0x7  }
0x10: {  	s6 =	sshrl.u32 s6, $0x3;
	s16 =	sadd.s32 $0x18E00, s0;
	s24 =	sor.u32 $0x280, s3  }
0x11: {  	s25 =	sor.u32 $0x180, s3;
	s3 =	sor.u32 $0x200, s3;
	s19 =	sor.u32 $0x10, s6  }
0x12: {  	s20 =	sadd.s32 s8, s6;
	s10 =	sadd.s32 s9, s6;
	s6 =	sor.u32 $0x20, s6  }
0x13: {  	s0 =	sshrl.u32 s24, $0x3;
	s26 =	sshrl.u32 s25, $0x3;
	s3 =	sshrl.u32 s3, $0x3  }
0x14: {  	s24 =	simm.s32 $0x80;
	s25 =	simm.s32 $0x200;
	s21 =	sadd.s32 s8, s19  }
0x15: {  	s14 =	sadd.s32 s8, s6;
	s11 =	sadd.s32 s9, s19;
	[dreg:$0x6] =	wrdreg s21  }
0x16: {  	s6 =	sadd.s32 s9, s6;
	s15 =	smov.u32 s20;
	[dreg:$0x7] =	wrdreg s14  }
0x17: {  	s22 =	sadd.s32 $0x30, s20;
	s23 =	sadd.s32 $0x4F0, s10;
	[dreg:$0x8] =	wrdreg s11  }
0x18: {  	s18 =	sadd.s32 s0, s8;
	s19 =	sadd.s32 s26, s9;
	[dreg:$0x9] =	wrdreg s6  }
0x19: {  	s20 =	sadd.s32 s3, s9;
	s26 =	simm.s32 $0x100;
	[dreg:$0xa] =	wrdreg s22  }
0x1a: {  	s0 =	simm.s32 $0x3;
	s9 =	simm.s32 $0x8;
	[dreg:$0xb] =	wrdreg s23  }
0x1b: {  	s21 =	sadd.s32 s3, s8;
	s22 =	simm.s32 $0x9;
	s23 =	simm.s32 $0x1  }
0x1c: {  	s3 =	simm.s32 $0x6;
	s6 =	simm.s32 $0x4;
	s11 =	simm.s32 $0x0  }
.LBB2_1:
0x1d: {  	s8 =	rddreg [dreg:$0x5]  }
0x1e: {  	s13 =	rddreg [dreg:$0x4];
	s12 =	sshrl.u32 s8, $0x3  }
0x1f: {  	[spmem:s12], [sflag:s7] =	dma.local [hbm:s13], $0x2800  }
0x20: {  	_ =	swait.ge [sflag:s22], $0x2800  }
0x21: {  	[sflag:s22] =	ssyncset.done $0x0  }
0x22: {  	[sflag:s22] =	ssyncadd.s32 $0xFFFFD800  }
0x23: {  	[bflag:$0x0] =	sbarrier.arrive $0xFFFF  }
0x24: {  	[tilespmem:s4], [sflag:$0x1] =	stream.linear.gather [hbm4b:s15+s4], $0x80, $0x38;
	[tilespmem:$0x1C200] =	vst v63  }
0x25: {  	_ =	swait.ge [sflag:s23], $0x80  }
0x26: {  	[sflag:s23] =	ssyncset.done $0x0  }
0x27: {  	[sflag:s23] =	ssyncadd.s32 $0xFFFFFF80  }
0x28: {  	[tilespmem:s25], [sflag:$0x5] =	stream.indirect.gather [hbm4b:s1+s24], $0x80, s4, s24, $0xb8;
	[tilespmem:$0x1C200] =	vst v63  }
0x29: {  	s14 =	rddreg [dreg:$0x6]  }
0x2a: {  	[tilespmem:s24], [sflag:$0x2] =	stream.linear.gather [hbm4b:s14+s4], $0x80, $0x38;
	[tilespmem:$0x1C200] =	vst v63  }
0x2b: {  	_ = 	snop  }
0x2c: {  	[tilespmem:s26], [sflag:$0x3] =	stream.linear.gather [hbm4b:s10+s4], $0x80, $0x38;
	[tilespmem:$0x1C200] =	vst v63  }
0x2d: {  	_ =	swait.ge [sflag:s28], $0x4000  }
0x2e: {  	[sflag:s28] =	ssyncset.done $0x0  }
0x2f: {  	s13 =	rddreg [dreg:$0x7];
	[sflag:s28] =	ssyncadd.s32 $0xFFFFC000  }
0x30: {  	[tilespmem:s4], [sflag:$0x1] =	stream.linear.gather [hbm4b:s13+s4], $0x80, $0x38;
	[tilespmem:$0x1C200] =	vst v63  }
0x31: {  	s14 =	rddreg [dreg:$0x8]  }
0x32: {  	[tilespmem:s29], [sflag:$0x4] =	stream.linear.gather [hbm4b:s14+s4], $0x80, $0x38;
	[tilespmem:$0x1C200] =	vst v63  }
0x33: {  	_ =	swait.ge [sflag:s30], $0x80  }
0x34: {  	[sflag:s30] =	ssyncset.done $0x0  }
0x35: {  	[sflag:s30] =	ssyncadd.s32 $0xFFFFFF80  }
0x36: {  	[tilespmem:s31], [sflag:$0x6] =	stream.indirect.gather [hbm4b:s1+s24], $0x80, s24, s24, $0xb8;
	[tilespmem:$0x1C200] =	vst v63  }
0x37: {  	_ =	swait.ge [sflag:s0], $0x80  }
0x38: {  	[sflag:s0] =	ssyncset.done $0x0  }
0x39: {  	[sflag:s0] =	ssyncadd.s32 $0xFFFFFF80  }
0x3a: {  	[spmem:s2] =	stream.indirect.scatter.add.f32 [tilespmem:s25], [sflag:$0x7], $0x80, s26, s24, $0xb8;
	[tilespmem:$0x1C200] =	vst v63  }
0x3b: {  	_ =	swait.ge [sflag:s3], $0x4000  }
0x3c: {  	[sflag:s3] =	ssyncset.done $0x0  }
0x3d: {  	[sflag:s3] =	ssyncadd.s32 $0xFFFFC000  }
0x3e: {  	_ =	swait.ge [sflag:s5], $0x4000  }
0x3f: {  	[sflag:s5] =	ssyncset.done $0x0  }
0x40: {  	s13 =	rddreg [dreg:$0x9];
	[sflag:s5] =	ssyncadd.s32 $0xFFFFC000  }
0x41: {  	[tilespmem:s26], [sflag:$0x3] =	stream.linear.gather [hbm4b:s13+s4], $0x80, $0x38;
	[tilespmem:$0x1C200] =	vst v63  }
0x42: {  	_ =	swait.ge [sflag:s23], $0x80  }
0x43: {  	[sflag:s23] =	ssyncset.done $0x0  }
0x44: {  	[sflag:s23] =	ssyncadd.s32 $0xFFFFFF80  }
0x45: {  	[tilespmem:s25], [sflag:$0x5] =	stream.indirect.gather [hbm4b:s1+s24], $0x80, s4, s24, $0xb8;
	[tilespmem:$0x1C200] =	vst v63  }
0x46: {  	s14 =	rddreg [dreg:$0xa]  }
0x47: {  	[tilespmem:s24], [sflag:$0x2] =	stream.linear.gather [hbm4b:s14+s4], $0x80, $0x38;
	[tilespmem:$0x1C200] =	vst v63  }
0x48: {  	_ =	swait.ge [sflag:s6], $0x80  }
0x49: {  	[sflag:s6] =	ssyncset.done $0x0  }
0x4a: {  	[sflag:s6] =	ssyncadd.s32 $0xFFFFFF80  }
0x4b: {  	[spmem:s2] =	stream.indirect.scatter.add.f32 [tilespmem:s31], [sflag:$0x8], $0x80, s29, s24, $0xb8;
	[tilespmem:$0x1C200] =	vst v63  }
0x4c: {  	_ =	swait.ge [sflag:s28], $0x4000  }
0x4d: {  	[sflag:s28] =	ssyncset.done $0x0  }
0x4e: {  	s13 =	sadd.s32 $0x0, s21;
	[sflag:s28] =	ssyncadd.s32 $0xFFFFC000  }
0x4f: {  	[tilespmem:s4], [sflag:$0x1] =	stream.linear.gather [hbm4b:s13+s4], $0x80, $0x38;
	[tilespmem:$0x1C200] =	vst v63  }
0x50: {  	_ =	swait.ge [sflag:s9], $0x4000  }
0x51: {  	[sflag:s9] =	ssyncset.done $0x0  }
0x52: {  	s14 =	sadd.s32 $0x0, s19;
	[sflag:s9] =	ssyncadd.s32 $0xFFFFC000  }
0x53: {  	[tilespmem:s29], [sflag:$0x4] =	stream.linear.gather [hbm4b:s14+s4], $0x80, $0x38;
	[tilespmem:$0x1C200] =	vst v63  }
0x54: {  	_ =	swait.ge [sflag:s30], $0x80  }
0x55: {  	[sflag:s30] =	ssyncset.done $0x0  }
0x56: {  	[sflag:s30] =	ssyncadd.s32 $0xFFFFFF80  }
0x57: {  	[tilespmem:s31], [sflag:$0x6] =	stream.indirect.gather [hbm4b:s1+s24], $0x80, s24, s24, $0xb8;
	[tilespmem:$0x1C200] =	vst v63  }
0x58: {  	_ =	swait.ge [sflag:s0], $0x80  }
0x59: {  	[sflag:s0] =	ssyncset.done $0x0  }
0x5a: {  	[sflag:s0] =	ssyncadd.s32 $0xFFFFFF80  }
0x5b: {  	[spmem:s2] =	stream.indirect.scatter.add.f32 [tilespmem:s25], [sflag:$0x7], $0x80, s26, s24, $0xb8;
	[tilespmem:$0x1C200] =	vst v63  }
0x5c: {  	_ =	swait.ge [sflag:s3], $0x4000  }
0x5d: {  	[sflag:s3] =	ssyncset.done $0x0  }
0x5e: {  	[sflag:s3] =	ssyncadd.s32 $0xFFFFC000  }
0x5f: {  	_ =	swait.ge [sflag:s5], $0x4000  }
0x60: {  	[sflag:s5] =	ssyncset.done $0x0  }
0x61: {  	s13 =	sadd.s32 $0x0, s20;
	[sflag:s5] =	ssyncadd.s32 $0xFFFFC000  }
0x62: {  	[tilespmem:s26], [sflag:$0x3] =	stream.linear.gather [hbm4b:s13+s4], $0x80, $0x38;
	[tilespmem:$0x1C200] =	vst v63  }
0x63: {  	_ =	swait.ge [sflag:s23], $0x80  }
0x64: {  	[sflag:s23] =	ssyncset.done $0x0  }
0x65: {  	[sflag:s23] =	ssyncadd.s32 $0xFFFFFF80  }
0x66: {  	[tilespmem:s25], [sflag:$0x5] =	stream.indirect.gather [hbm4b:s1+s24], $0x80, s4, s24, $0xb8;
	[tilespmem:$0x1C200] =	vst v63  }
0x67: {  	s14 =	sadd.s32 $0x0, s18  }
0x68: {  	[tilespmem:s24], [sflag:$0x2] =	stream.linear.gather [hbm4b:s14+s4], $0x80, $0x38;
	[tilespmem:$0x1C200] =	vst v63  }
0x69: {  	_ =	swait.ge [sflag:s6], $0x80  }
0x6a: {  	[sflag:s6] =	ssyncset.done $0x0  }
0x6b: {  	s8 =	simm.s32 $0x20;
	[sflag:s6] =	ssyncadd.s32 $0xFFFFFF80  }
.LBB2_2:
0x6c: {  	[spmem:s2] =	stream.indirect.scatter.add.f32 [tilespmem:s31], [sflag:$0x8], $0x80, s29, s24, $0xb8;
	[tilespmem:$0x1C200] =	vst v63  }
0x6d: {  	s13 =	smov.u32 s8  }
0x6e: {  	p0 =	sne.s32 s8, $0x4A0;
	s8 =	sadd.s32 $0x20, s8;
	_ =	swait.ge [sflag:s28], $0x4000  }
0x6f: {  	[sflag:s28] =	ssyncset.done $0x0  }
0x70: {  	s14 =	sadd.s32 s13, s21;
	[sflag:s28] =	ssyncadd.s32 $0xFFFFC000  }
0x71: {  	[tilespmem:s4], [sflag:$0x1] =	stream.linear.gather [hbm4b:s14+s4], $0x80, $0x38;
	[tilespmem:$0x1C200] =	vst v63  }
0x72: {  	_ =	swait.ge [sflag:s9], $0x4000  }
0x73: {  	[sflag:s9] =	ssyncset.done $0x0  }
0x74: {  	s14 =	sadd.s32 s13, s19;
	[sflag:s9] =	ssyncadd.s32 $0xFFFFC000  }
0x75: {  	[tilespmem:s29], [sflag:$0x4] =	stream.linear.gather [hbm4b:s14+s4], $0x80, $0x38;
	[tilespmem:$0x1C200] =	vst v63  }
0x76: {  	_ =	swait.ge [sflag:s30], $0x80  }
0x77: {  	[sflag:s30] =	ssyncset.done $0x0  }
0x78: {  	[sflag:s30] =	ssyncadd.s32 $0xFFFFFF80  }
0x79: {  	[tilespmem:s31], [sflag:$0x6] =	stream.indirect.gather [hbm4b:s1+s24], $0x80, s24, s24, $0xb8;
	[tilespmem:$0x1C200] =	vst v63  }
0x7a: {  	_ =	swait.ge [sflag:s0], $0x80  }
0x7b: {  	[sflag:s0] =	ssyncset.done $0x0  }
0x7c: {  	[sflag:s0] =	ssyncadd.s32 $0xFFFFFF80  }
0x7d: {  	[spmem:s2] =	stream.indirect.scatter.add.f32 [tilespmem:s25], [sflag:$0x7], $0x80, s26, s24, $0xb8;
	[tilespmem:$0x1C200] =	vst v63  }
0x7e: {  	_ =	swait.ge [sflag:s3], $0x4000  }
0x7f: {  	[sflag:s3] =	ssyncset.done $0x0  }
0x80: {  	[sflag:s3] =	ssyncadd.s32 $0xFFFFC000  }
0x81: {  	_ =	swait.ge [sflag:s5], $0x4000  }
0x82: {  	[sflag:s5] =	ssyncset.done $0x0  }
0x83: {  	s14 =	sadd.s32 s13, s20;
	[sflag:s5] =	ssyncadd.s32 $0xFFFFC000  }
0x84: {  	[tilespmem:s26], [sflag:$0x3] =	stream.linear.gather [hbm4b:s14+s4], $0x80, $0x38;
	[tilespmem:$0x1C200] =	vst v63  }
0x85: {  	_ =	swait.ge [sflag:s23], $0x80  }
0x86: {  	[sflag:s23] =	ssyncset.done $0x0  }
0x87: {  	[sflag:s23] =	ssyncadd.s32 $0xFFFFFF80  }
0x88: {  	[tilespmem:s25], [sflag:$0x5] =	stream.indirect.gather [hbm4b:s1+s24], $0x80, s4, s24, $0xb8;
	[tilespmem:$0x1C200] =	vst v63  }
.Ltmp0:
0x89: {  	s13 =	sadd.s32 s13, s18;
	(pc) =	sbr.rel @p0 .LBB2_2-.Ltmp0, $4  }
0x8a: {  	[tilespmem:s24], [sflag:$0x2] =	stream.linear.gather [hbm4b:s13+s4], $0x80, $0x38;
	[tilespmem:$0x1C200] =	vst v63  }
0x8b: {  	_ =	swait.ge [sflag:s6], $0x80  }
0x8c: {  	[sflag:s6] =	ssyncset.done $0x0  }
0x8d: {  	[sflag:s6] =	ssyncadd.s32 $0xFFFFFF80  }
0x8e: {  	[spmem:s2] =	stream.indirect.scatter.add.f32 [tilespmem:s31], [sflag:$0x8], $0x80, s29, s24, $0xb8;
	[tilespmem:$0x1C200] =	vst v63  }
0x8f: {  	_ =	swait.ge [sflag:s28], $0x4000  }
0x90: {  	[sflag:s28] =	ssyncset.done $0x0  }
0x91: {  	[sflag:s28] =	ssyncadd.s32 $0xFFFFC000  }
0x92: {  	_ =	swait.ge [sflag:s9], $0x4000  }
0x93: {  	[sflag:s9] =	ssyncset.done $0x0  }
0x94: {  	s8 =	rddreg [dreg:$0xb];
	[sflag:s9] =	ssyncadd.s32 $0xFFFFC000  }
0x95: {  	[tilespmem:s29], [sflag:$0x4] =	stream.linear.gather [hbm4b:s8+s4], $0x80, $0x38;
	[tilespmem:$0x1C200] =	vst v63  }
0x96: {  	_ =	swait.ge [sflag:s30], $0x80  }
0x97: {  	[sflag:s30] =	ssyncset.done $0x0  }
0x98: {  	[sflag:s30] =	ssyncadd.s32 $0xFFFFFF80  }
0x99: {  	[tilespmem:s31], [sflag:$0x6] =	stream.indirect.gather [hbm4b:s1+s24], $0x80, s24, s24, $0xb8;
	[tilespmem:$0x1C200] =	vst v63  }
0x9a: {  	_ =	swait.ge [sflag:s0], $0x80  }
0x9b: {  	[sflag:s0] =	ssyncset.done $0x0  }
0x9c: {  	[sflag:s0] =	ssyncadd.s32 $0xFFFFFF80  }
0x9d: {  	[spmem:s2] =	stream.indirect.scatter.add.f32 [tilespmem:s25], [sflag:$0x7], $0x80, s26, s24, $0xb8;
	[tilespmem:$0x1C200] =	vst v63  }
0x9e: {  	_ =	swait.ge [sflag:s3], $0x4000  }
0x9f: {  	[sflag:s3] =	ssyncset.done $0x0  }
0xa0: {  	[sflag:s3] =	ssyncadd.s32 $0xFFFFC000  }
0xa1: {  	_ =	swait.ge [sflag:s5], $0x4000  }
0xa2: {  	[sflag:s5] =	ssyncset.done $0x0  }
0xa3: {  	[sflag:s5] =	ssyncadd.s32 $0xFFFFC000  }
0xa4: {  	_ =	swait.ge [sflag:s6], $0x80  }
0xa5: {  	[sflag:s6] =	ssyncset.done $0x0  }
0xa6: {  	[sflag:s6] =	ssyncadd.s32 $0xFFFFFF80  }
0xa7: {  	[spmem:s2] =	stream.indirect.scatter.add.f32 [tilespmem:s31], [sflag:$0x8], $0x80, s29, s24, $0xb8;
	[tilespmem:$0x1C200] =	vst v63  }
0xa8: {  	_ =	swait.ge [sflag:s9], $0x4000  }
0xa9: {  	s11 =	sadd.s32 $0x1, s11;
	[sflag:s9] =	ssyncset.done $0x0  }
0xaa: {  	p0 =	sne.s32 s11, s17;
	[sflag:s9] =	ssyncadd.s32 $0xFFFFC000  }
.Ltmp1:
0xab: {  	[bflag:$0x0] =	sbarrier.arrive $0xFFFF;
	(pc) =	sbr.rel @p0 .LBB2_1-.Ltmp1, $4  }
0xac: {  	[hbm:s16], [sflag:s7] =	dma.local [spmem:s12], $0x2800  }
0xad: {  	_ =	swait.ge [sflag:s22], $0x2800  }
0xae: {  	[sflag:s22] =	ssyncset.done $0x0  }
0xaf: {  	[sflag:s22] =	ssyncadd.s32 $0xFFFFD800  }
0xb0: {  	_ =	sfence.sel $0x180000  }
0xb1: {  	[bflag:$0x0] =	sbarrier.arrive $0xFFFF  }
0xb2: {  	_ =	strace $0x9000004A  }
0xb3: {  	s0 =	stileid.u32;
	[bflag:$0x2] =	sbarrier.arrive $0xFFFF  }
0xb4: {  	p0 =	sne.s32 s0, $0x0;
	s0 =	rddreg [dreg:$0x3]  }
0xb5: {  	s0 =	sadd.s32 @!p0 $0x100000, s0  }
0xb6: {  	[sflag:s0] =	ssyncadd.tile.s32 @!p0 $0x1;
	_ =	shalt  }
.Lfunc_end2:
_tile_overlayer_lowered:
.L_overlay_start_2:
0xb7: {  	(tag) =	ssettag $0x2  }
0xb8: {  	s0 =	rddreg [dreg:$0x0];
	s2 =	stileid.u32  }
0xb9: {  	s1 =	rddreg [dreg:$0x1];
	p0 =	sne.s32 s2, $0x0  }
0xba: {  	s3 =	rddreg [dreg:$0x2];
	[bflag:$0x3] =	sbarrier.arrive $0xFFFF;
	s2 =	simm.s32 @!p0 $0x1C09  }
0xbb: {  	[timem:s3], [sflag:s2] =	dma.local @!p0 [hbm:s0], s1  }
0xbc: {  	s0 =	simm.s32 @!p0 $0x9  }
0xbd: {  	_ =	swait.ge @!p0 [sflag:s0], s1  }
0xbe: {  	s1 =	ssub.s32 @!p0 $0x0, s1;
	[sflag:s0] =	ssyncset.done @!p0 $0x0  }
0xbf: {  	[sflag:s0] =	ssyncadd.s32 @!p0 s1  }
0xc0: {  	[bflag:$0x3] =	sbarrier.arrive $0xFFFF  }
0xc1: {  	_ =	shalt  }

</sc_bundles>
